<compile_context>
chip_gen: v7x
topology: tpu7x:2x2x1
jax: 0.10.2.dev20260603
libtpu: 0.0.44.dev20260713+nightly
codegen_flags: <defaults>
</compile_context>

<pallas_src>
import functools

import jax
import jax.numpy as jnp
import numpy as np
from jax import lax
from jax.experimental import pallas as pl
from jax.experimental.pallas import tpu as pltpu
from jax.experimental.pallas import tpu_sc as plsc

B = 2
L = 2048
D_MODEL = 1024
N_HEADS = 16
D_K = D_MODEL // N_HEADS
TOP_K = 8
BH = B * N_HEADS
NF = L // 2 + 1
FPAD = 1152

_f = np.arange(FPAD, dtype=np.float64)
_t = np.arange(L, dtype=np.float64)
_theta = (2.0 * np.pi / L) * np.outer(_f, _t)
_mask = (_f < NF)[:, None]
_FWC = np.where(_mask, np.cos(_theta), 0.0).astype(np.float32)
_FWS = np.where(_mask, np.sin(_theta), 0.0).astype(np.float32)
_w = np.where((_f >= 1) & (_f <= NF - 2), 2.0, 1.0) * (_f < NF)
_IDC = (_w[:, None] * np.cos(_theta)).astype(np.float32)
_IDS = (_w[:, None] * np.sin(_theta)).astype(np.float32)
_ED = np.zeros((D_MODEL, N_HEADS), dtype=np.float32)
for _c in range(D_MODEL):
    _ED[_c, _c // D_K] = 1.0 / (L * D_K)

_HI = lax.Precision.HIGHEST


def _mm_kernel(x_ref, y_ref, o_ref, *, precision):
    @pl.when(pl.program_id(2) == 0)
    def _():
        o_ref[...] = jnp.zeros_like(o_ref)

    o_ref[...] += jnp.dot(x_ref[...], y_ref[...],
                          preferred_element_type=jnp.float32,
                          precision=precision)


def _mm_bias_kernel(x_ref, y_ref, b_ref, o_ref, *, precision):
    @pl.when(pl.program_id(2) == 0)
    def _():
        o_ref[...] = jnp.broadcast_to(b_ref[...], o_ref.shape)

    o_ref[...] += jnp.dot(x_ref[...], y_ref[...],
                          preferred_element_type=jnp.float32,
                          precision=precision)


def _matmul(x, y, bias=None, bm=512, bn=512, bk=512, precision=_HI):
    M, K = x.shape
    _, N = y.shape
    bm, bn, bk = min(bm, M), min(bn, N), min(bk, K)
    grid = (M // bm, N // bn, K // bk)
    in_specs = [
        pl.BlockSpec((bm, bk), lambda i, j, k: (i, k)),
        pl.BlockSpec((bk, bn), lambda i, j, k: (k, j)),
    ]
    args = [x, y]
    if bias is None:
        body = functools.partial(_mm_kernel, precision=precision)
    else:
        body = functools.partial(_mm_bias_kernel, precision=precision)
        in_specs.append(pl.BlockSpec((1, bn), lambda i, j, k: (0, j)))
        args.append(bias.reshape(1, N))
    return pl.pallas_call(
        body,
        grid=grid,
        in_specs=in_specs,
        out_specs=pl.BlockSpec((bm, bn), lambda i, j, k: (i, j)),
        out_shape=jax.ShapeDtypeStruct((M, N), jnp.float32),
        compiler_params=pltpu.CompilerParams(
            dimension_semantics=("parallel", "parallel", "arbitrary")),
    )(*args)



def _fwdspec_kernel(fc_ref, fs_ref, q_ref, k_ref, ed_ref, sr_ref, si_ref,
                    qc_acc, qs_acc, kc_acc, ks_acc, *, nk):
    k_id = pl.program_id(3)
    j_id = pl.program_id(2)

    @pl.when(k_id == 0)
    def _():
        qc_acc[...] = jnp.zeros_like(qc_acc)
        qs_acc[...] = jnp.zeros_like(qs_acc)
        kc_acc[...] = jnp.zeros_like(kc_acc)
        ks_acc[...] = jnp.zeros_like(ks_acc)

    fcb, fsb = fc_ref[...], fs_ref[...]
    qb, kb = q_ref[0], k_ref[0]
    dot = functools.partial(jnp.dot, preferred_element_type=jnp.float32,
                            precision=_HI)
    qc_acc[...] += dot(fcb, qb)
    qs_acc[...] += dot(fsb, qb)
    kc_acc[...] += dot(fcb, kb)
    ks_acc[...] += dot(fsb, kb)

    @pl.when(k_id == nk - 1)
    def _():
        @pl.when(j_id == 0)
        def _():
            sr_ref[...] = jnp.zeros_like(sr_ref)
            si_ref[...] = jnp.zeros_like(si_ref)

        qc, qs = qc_acc[...], qs_acc[...]
        kc, ks = kc_acc[...], ks_acc[...]
        ed = ed_ref[...]
        sr_ref[0] += dot(qc * kc + qs * ks, ed)
        si_ref[0] += dot(qc * ks - qs * kc, ed)


def _fwd_spectrum(fwc, fws, q3, k3, ed, bm=384, bn=1024, bk=512):
    nk = L // bk
    grid = (B, FPAD // bm, D_MODEL // bn, nk)
    fspec = pl.BlockSpec((bm, bk), lambda b, i, j, k: (i, k))
    xspec = pl.BlockSpec((1, bk, bn), lambda b, i, j, k: (b, k, j))
    return pl.pallas_call(
        functools.partial(_fwdspec_kernel, nk=nk),
        grid=grid,
        in_specs=[fspec, fspec, xspec, xspec,
                  pl.BlockSpec((bn, N_HEADS), lambda b, i, j, k: (j, 0))],
        out_specs=[pl.BlockSpec((1, bm, N_HEADS),
                                lambda b, i, j, k: (b, i, 0))] * 2,
        out_shape=[jax.ShapeDtypeStruct((B, FPAD, N_HEADS), jnp.float32)] * 2,
        scratch_shapes=[pltpu.VMEM((bm, bn), jnp.float32)] * 4,
        compiler_params=pltpu.CompilerParams(
            dimension_semantics=("parallel", "parallel", "arbitrary",
                                 "arbitrary")),
    )(fwc, fws, q3, k3, ed)



def _idft_kernel(srt_ref, sit_ref, idc_ref, ids_ref, o_ref):
    @pl.when(pl.program_id(1) == 0)
    def _():
        o_ref[...] = jnp.zeros_like(o_ref)

    dot = functools.partial(jnp.dot, preferred_element_type=jnp.float32,
                            precision=_HI)
    o_ref[...] += (dot(srt_ref[...], idc_ref[...])
                   - dot(sit_ref[...], ids_ref[...]))


def _idft(srt, sit, idc, ids, bn=512, bk=384):
    grid = (L // bn, FPAD // bk)
    sspec = pl.BlockSpec((BH, bk), lambda j, k: (0, k))
    fspec = pl.BlockSpec((bk, bn), lambda j, k: (k, j))
    return pl.pallas_call(
        _idft_kernel,
        grid=grid,
        in_specs=[sspec, sspec, fspec, fspec],
        out_specs=pl.BlockSpec((BH, bn), lambda j, k: (0, j)),
        out_shape=jax.ShapeDtypeStruct((BH, L), jnp.float32),
        compiler_params=pltpu.CompilerParams(
            dimension_semantics=("parallel", "arbitrary")),
    )(srt, sit, idc, ids)



def _agg_kernel(w_ref, d_ref, v_ref, o_ref, scratch):
    vb = v_ref[0]
    scratch[0:L, :] = vb
    scratch[L:2 * L, :] = vb
    wpair = w_ref[...].reshape(2, _SC_LANES)
    dpair = d_ref[...].reshape(2, _SC_LANES)
    for i in range(2):
        sl = slice(i * D_K, (i + 1) * D_K)
        acc = wpair[i, 0] * scratch[pl.ds(L - dpair[i, 0], L), sl]
        for j in range(1, TOP_K):
            acc += wpair[i, j] * scratch[pl.ds(L - dpair[i, j], L), sl]
        o_ref[0, :, sl] = acc


def _topk_agg(w4, d4, v3):
    return pl.pallas_call(
        _agg_kernel,
        grid=(B, N_HEADS // 2),
        in_specs=[
            pl.BlockSpec((1, 1, 2, _SC_LANES), lambda b, hp: (b, hp, 0, 0)),
            pl.BlockSpec((1, 1, 2, _SC_LANES), lambda b, hp: (b, hp, 0, 0)),
            pl.BlockSpec((1, L, 2 * D_K), lambda b, hp: (b, 0, hp)),
        ],
        out_specs=pl.BlockSpec((1, L, 2 * D_K), lambda b, hp: (b, 0, hp)),
        out_shape=jax.ShapeDtypeStruct((B, L, D_MODEL), jnp.float32),
        scratch_shapes=[pltpu.VMEM((2 * L, 2 * D_K), jnp.float32)],
        compiler_params=pltpu.CompilerParams(
            dimension_semantics=("parallel", "parallel")),
    )(w4, d4, v3)



_SC_LANES = 16


def _sc_topk_body(corr_hbm, w_hbm, d_hbm, corr_v, w_stage, d_stage, sem):
    wid = lax.axis_index("s") * 2 + lax.axis_index("c")

    pltpu.sync_copy(corr_hbm.at[wid], corr_v)

    def topk_body(i, carry):
        ck, ci = carry
        vals = corr_v[0, pl.ds(i * _SC_LANES, _SC_LANES)]
        idxs = lax.iota(jnp.int32, _SC_LANES) + i * _SC_LANES
        sv, si = plsc.sort_key_val(vals, idxs, descending=True)
        rv = lax.rev(sv, (0,))
        ri = lax.rev(si, (0,))
        take_old = ck >= rv
        mk = jnp.maximum(ck, rv)
        mi = jnp.where(take_old, ci, ri)
        return tuple(plsc.sort_key_val(mk, mi, descending=True))

    ck0 = jnp.full((_SC_LANES,), -jnp.inf, jnp.float32)
    ci0 = jnp.zeros((_SC_LANES,), jnp.int32)
    ck, ci = lax.fori_loop(0, L // _SC_LANES, topk_body, (ck0, ci0))

    m = lax.reduce_max(ck, (0,))
    lanes = lax.iota(jnp.int32, _SC_LANES)
    e = jnp.where(lanes < TOP_K, jnp.exp(ck - m), 0.0)
    s = lax.reduce_sum(e, (0,))
    w_stage[0, :] = e / s
    d_stage[0, :] = ci
    pltpu.sync_copy(w_stage, w_hbm.at[wid])
    pltpu.sync_copy(d_stage, d_hbm.at[wid])


def _sc_topk(corr2):
    mesh = plsc.VectorSubcoreMesh(core_axis_name="c", subcore_axis_name="s")
    f = functools.partial(
        pl.kernel,
        out_type=[jax.ShapeDtypeStruct((BH, 1, _SC_LANES), jnp.float32),
                  jax.ShapeDtypeStruct((BH, 1, _SC_LANES), jnp.int32)],
        mesh=mesh,
        compiler_params=pltpu.CompilerParams(needs_layout_passes=False,
                                             use_tc_tiling_on_sc=False),
        scratch_types=[
            pltpu.VMEM((1, L), jnp.float32),
            pltpu.VMEM((1, _SC_LANES), jnp.float32),
            pltpu.VMEM((1, _SC_LANES), jnp.int32),
            pltpu.SemaphoreType.DMA,
        ],
    )(_sc_topk_body)
    return f(corr2)


def kernel(queries, keys, values, Wq, bq, Wk, bk, Wv, bv, Wo, bo):
    fwc = jnp.asarray(_FWC)
    fws = jnp.asarray(_FWS)
    idc = jnp.asarray(_IDC)
    ids = jnp.asarray(_IDS)
    ed = jnp.asarray(_ED)

    q = _matmul(queries.reshape(B * L, D_MODEL), Wq.T, bq, bn=1024, bk=1024,
                precision=lax.Precision.DEFAULT)
    k = _matmul(keys.reshape(B * L, D_MODEL), Wk.T, bk, bn=1024, bk=1024,
                precision=lax.Precision.DEFAULT)
    v = _matmul(values.reshape(B * L, D_MODEL), Wv.T, bv, bn=1024, bk=1024,
                precision=lax.Precision.DEFAULT)

    q3 = q.reshape(B, L, D_MODEL)
    k3 = k.reshape(B, L, D_MODEL)
    v3 = v.reshape(B, L, D_MODEL)

    sr, si = _fwd_spectrum(fwc, fws, q3, k3, ed)
    srt = sr.transpose(0, 2, 1).reshape(BH, FPAD)
    sit = si.transpose(0, 2, 1).reshape(BH, FPAD)
    corr = _idft(srt, sit, idc, ids)

    corr2 = corr.reshape(BH, 1, L)
    w2, d2 = _sc_topk(corr2)
    w4 = w2.reshape(B, N_HEADS // 2, 2, _SC_LANES)
    d4 = d2.reshape(B, N_HEADS // 2, 2, _SC_LANES)

    out = _topk_agg(w4, d4, v3)
    out = _matmul(out.reshape(B * L, D_MODEL), Wo.T, bo, bn=1024, bk=1024,
                  precision=lax.Precision.DEFAULT)
    return out.reshape(B, L, D_MODEL)

# --- scband reference (transcript-rebuilt; emitter-appended) ---
"""Pipeline reference for scband-auto-correlation-64518998720631 (READ-ONLY COPY).

The authoritative reference and input builder live on the scoring server;
editing this copy changes nothing except your own understanding.
"""

import jax, jax.numpy as jnp
import numpy as np

B = 2
L = 2048
D_MODEL = 1024
N_HEADS = 16
D_K = D_MODEL // N_HEADS
TOP_K = 8


def setup_inputs(seed: int = 0) -> dict:
    key = jax.random.key(seed)
    ks = jax.random.split(key, 11)
    s = 1.0 / np.sqrt(D_MODEL)
    inp = {
        "queries": jax.random.normal(ks[0], (B, L, D_MODEL), dtype=jnp.float32),
        "keys": jax.random.normal(ks[1], (B, L, D_MODEL), dtype=jnp.float32),
        "values": jax.random.normal(ks[2], (B, L, D_MODEL), dtype=jnp.float32),
        "Wq": jax.random.normal(ks[3], (D_MODEL, D_MODEL), dtype=jnp.float32) * s,
        "bq": jnp.zeros((D_MODEL,), dtype=jnp.float32),
        "Wk": jax.random.normal(ks[4], (D_MODEL, D_MODEL), dtype=jnp.float32) * s,
        "bk": jnp.zeros((D_MODEL,), dtype=jnp.float32),
        "Wv": jax.random.normal(ks[5], (D_MODEL, D_MODEL), dtype=jnp.float32) * s,
        "bv": jnp.zeros((D_MODEL,), dtype=jnp.float32),
        "Wo": jax.random.normal(ks[6], (D_MODEL, D_MODEL), dtype=jnp.float32) * s,
        "bo": jnp.zeros((D_MODEL,), dtype=jnp.float32),
    }
    return inp


def _time_delay_agg(vh, corr, k):
    # vh: (B, L, D_K), corr: (B, L)
    Bv, Lv, Dk = vh.shape
    weights, delays = jax.lax.top_k(corr, k)  # (B, k)
    weights = jax.nn.softmax(weights, axis=-1)
    idx = (jnp.arange(Lv)[None, None, :] - delays[:, :, None]) % Lv  # (B, k, L)
    vexp = jnp.broadcast_to(vh[:, None, :, :], (Bv, k, Lv, Dk))
    gidx = jnp.broadcast_to(idx[..., None], (Bv, k, Lv, Dk))
    gathered = jnp.take_along_axis(vexp, gidx, axis=2)  # (B, k, L, D_K)
    return jnp.sum(weights[..., None, None] * gathered, axis=1)  # (B, L, D_K)


def reference(queries, keys, values, Wq, bq, Wk, bk, Wv, bv, Wo, bo):
    Bq, Lq, _ = queries.shape
    q = (queries @ Wq.T + bq).reshape(Bq, Lq, N_HEADS, D_K)
    kk = (keys @ Wk.T + bk).reshape(Bq, Lq, N_HEADS, D_K)
    v = (values @ Wv.T + bv).reshape(Bq, Lq, N_HEADS, D_K)
    outputs = []
    for h in range(N_HEADS):
        qh = q[:, :, h]
        kh = kk[:, :, h]
        vh = v[:, :, h]
        corr = jnp.fft.irfft(
            jnp.fft.rfft(qh, axis=1) * jnp.conj(jnp.fft.rfft(kh, axis=1)),
            n=Lq, axis=1,
        ).mean(axis=-1)  # (B, L)
        outputs.append(_time_delay_agg(vh, corr, TOP_K))
    output = jnp.concatenate(outputs, axis=-1)  # (B, L, D_MODEL)
    out = output @ Wo.T + bo  # dropout p=0.0 -> identity
    return out

if __name__ == "__main__":
    import jax
    _d = setup_inputs()
    print(jax.jit(kernel)(*tuple(_d.values())))

</pallas_src>

<mosaic_0001>
#map = affine_map<(d0, d1) -> (0, 0, 0)>
module attributes {stable_mosaic.version = 14 : i64} {
  func.func @_sc_topk_body(%arg0: i32, %arg1: i32, %arg2: memref<32x1x2048xf32, #tpu.memory_space<hbm>>, %arg3: memref<32x1x16xf32, #tpu.memory_space<hbm>>, %arg4: memref<32x1x16xi32, #tpu.memory_space<hbm>>, %arg5: memref<1x2048xf32, #tpu.memory_space<vmem>>, %arg6: memref<1x16xf32, #tpu.memory_space<vmem>>, %arg7: memref<1x16xi32, #tpu.memory_space<vmem>>, %arg8: memref<!tpu.dma_semaphore, #tpu.memory_space<semaphore_mem>>) attributes {dimension_semantics = [#tpu.dimension_semantics<core_parallel>, #tpu.dimension_semantics<subcore_parallel>], iteration_bounds = array<i64: 2, 16>, scalar_prefetch = 0 : i64, scratch_operands = 4 : i64, tpu.core_type = #tpu.core_type<sc_vector_subcore>, window_params = [{transform_indices = #map}, {transform_indices = #map}, {transform_indices = #map}]} {
    %mul3A = arith.constant 2 : i32
    %mul3A_0 = arith.muli %arg1, %mul3A : i32
    %add3A = arith.addi %mul3A_0, %arg0 : i32
    "tpu.region"() ({
      %run_scoped3A = tpu.sem_alloc : memref<!tpu.dma_semaphore, #tpu.memory_space<semaphore_mem>>
      %dma_start3A = arith.constant 0 : i32
      %dma_start3A_27 = arith.constant 0 : i32
      %dma_start3A_28 = tpu.memref_slice %arg2[%add3A, %dma_start3A, %dma_start3A_27] : memref<32x1x2048xf32, #tpu.memory_space<hbm>> -> memref<1x1x2048xf32, #tpu.memory_space<hbm>>
      %dma_start3A_29 = tpu.memref_squeeze %dma_start3A_28 : memref<1x1x2048xf32, #tpu.memory_space<hbm>> -> memref<1x2048xf32, #tpu.memory_space<hbm>>
      %dma_start3A_30 = arith.constant 0 : i32
      %dma_start3A_31 = arith.constant 0 : i32
      %dma_start3A_32 = tpu.memref_slice %arg2[%add3A, %dma_start3A_30, %dma_start3A_31] : memref<32x1x2048xf32, #tpu.memory_space<hbm>> -> memref<1x1x2048xf32, #tpu.memory_space<hbm>>
      %dma_start3A_33 = tpu.memref_squeeze %dma_start3A_32 : memref<1x1x2048xf32, #tpu.memory_space<hbm>> -> memref<1x2048xf32, #tpu.memory_space<hbm>>
      tpu.enqueue_dma source(%dma_start3A_33 : memref<1x2048xf32, #tpu.memory_space<hbm>>) target(%arg5 : memref<1x2048xf32, #tpu.memory_space<vmem>>) target_semaphore(%run_scoped3A : memref<!tpu.dma_semaphore, #tpu.memory_space<semaphore_mem>>)
      %dma_wait3A = arith.constant 0 : i32
      %dma_wait3A_34 = arith.constant 0 : i32
      %dma_wait3A_35 = tpu.memref_slice %arg2[%add3A, %dma_wait3A, %dma_wait3A_34] : memref<32x1x2048xf32, #tpu.memory_space<hbm>> -> memref<1x1x2048xf32, #tpu.memory_space<hbm>>
      %dma_wait3A_36 = tpu.memref_squeeze %dma_wait3A_35 : memref<1x1x2048xf32, #tpu.memory_space<hbm>> -> memref<1x2048xf32, #tpu.memory_space<hbm>>
      %dma_wait3A_37 = arith.constant 0 : i32
      %dma_wait3A_38 = arith.constant 0 : i32
      %dma_wait3A_39 = tpu.memref_slice %arg2[%add3A, %dma_wait3A_37, %dma_wait3A_38] : memref<32x1x2048xf32, #tpu.memory_space<hbm>> -> memref<1x1x2048xf32, #tpu.memory_space<hbm>>
      %dma_wait3A_40 = tpu.memref_squeeze %dma_wait3A_39 : memref<1x1x2048xf32, #tpu.memory_space<hbm>> -> memref<1x2048xf32, #tpu.memory_space<hbm>>
      tpu.wait_dma2 semaphore(%run_scoped3A : memref<!tpu.dma_semaphore, #tpu.memory_space<semaphore_mem>>) src(%dma_wait3A_40 : memref<1x2048xf32, #tpu.memory_space<hbm>>) dst(%arg5 : memref<1x2048xf32, #tpu.memory_space<vmem>>)
      tpu.yield
    }) : () -> ()
    %broadcast_in_dim3A = arith.constant 0xFF800000 : f32
    %broadcast_in_dim3A_1 = vector.broadcast %broadcast_in_dim3A : f32 to vector<16xf32>
    %broadcast_in_dim3A_2 = arith.constant 0 : i32
    %broadcast_in_dim3A_3 = vector.broadcast %broadcast_in_dim3A_2 : i32 to vector<16xi32>
    %scan3A = arith.constant 0 : i32
    %scan3A_4 = arith.constant 128 : i32
    %scan3A_5 = arith.addi %scan3A, %scan3A_4 : i32
    %scan3A_6 = arith.constant 1 : i32
    %scan3A_7:2 = scf.for %scan3A_27 = %scan3A to %scan3A_5 step %scan3A_6 iter_args(%scan3A_28 = %broadcast_in_dim3A_1, %scan3A_29 = %broadcast_in_dim3A_3) -> (vector<16xf32>, vector<16xi32>)  : i32 {
      %mul3A_30 = arith.constant 16 : i32
      %mul3A_31 = arith.muli %scan3A_27, %mul3A_30 : i32
      %get3A = arith.constant 0 : i32
      %get3A_32 = arith.index_cast %get3A : i32 to index
      %get3A_33 = arith.index_cast %mul3A_31 : i32 to index
      %get3A_34 = tpu.vector_load %arg5[%get3A_32, %get3A_33] {strides = array<i32>} : memref<1x2048xf32, #tpu.memory_space<vmem>>, vector<16xf32>,
      %iota3A_35 = tpu.iota {dimensions = array<i32: 0>} : vector<16xi32>
      %mul3A_36 = arith.constant 16 : i32
      %mul3A_37 = arith.muli %scan3A_27, %mul3A_36 : i32
      %add3A_38 = vector.broadcast %mul3A_37 : i32 to vector<16xi32>
      %add3A_39 = arith.addi %iota3A_35, %add3A_38 : vector<16xi32>
      %masked_sort3A = arith.constant dense<true> : vector<16xi1>
      %masked_sort3A_40, %masked_sort3A_41, %masked_sort3A_42 = tpu.sort %get3A_34, %add3A_39 masked %masked_sort3A {descending = true} : (vector<16xf32>, vector<16xi32>, vector<16xi1>) -> (vector<16xi1>, vector<16xf32>, vector<16xi32>)
      %rev3A = arith.constant 15 : i32
      %rev3A_43 = vector.broadcast %rev3A : i32 to vector<16xi32>
      %rev3A_44 = tpu.iota {dimensions = array<i32: 0>} : vector<16xi32>
      %rev3A_45 = arith.subi %rev3A_43, %rev3A_44 : vector<16xi32>
      %rev3A_46 = tpu.dynamic_gather %masked_sort3A_41[%rev3A_45] in [0] : vector<16xf32>, vector<16xi32> -> vector<16xf32>
      %rev3A_47 = arith.constant 15 : i32
      %rev3A_48 = vector.broadcast %rev3A_47 : i32 to vector<16xi32>
      %rev3A_49 = tpu.iota {dimensions = array<i32: 0>} : vector<16xi32>
      %rev3A_50 = arith.subi %rev3A_48, %rev3A_49 : vector<16xi32>
      %rev3A_51 = tpu.dynamic_gather %masked_sort3A_42[%rev3A_50] in [0] : vector<16xi32>, vector<16xi32> -> vector<16xi32>
      %ge3A = arith.cmpf oge, %scan3A_28, %rev3A_46 : vector<16xf32>
      %max3A = arith.maximumf %scan3A_28, %rev3A_46 : vector<16xf32>
      %select_n3A_52 = arith.select %ge3A, %scan3A_29, %rev3A_51 : vector<16xi1>, vector<16xi32>
      %masked_sort3A_53 = arith.constant dense<true> : vector<16xi1>
      %masked_sort3A_54, %masked_sort3A_55, %masked_sort3A_56 = tpu.sort %max3A, %select_n3A_52 masked %masked_sort3A_53 {descending = true} : (vector<16xf32>, vector<16xi32>, vector<16xi1>) -> (vector<16xi1>, vector<16xf32>, vector<16xi32>)
      scf.yield %masked_sort3A_55, %masked_sort3A_56 : vector<16xf32>, vector<16xi32>
    }
    %scan3A_8 = arith.constant 128 : i32
    %reduce_max3A = arith.constant true
    %reduce_max3A_9 = vector.broadcast %reduce_max3A : i1 to vector<16xi1>
    %reduce_max3A_10 = tpu.scan <max>, %scan3A_7#0 masked %reduce_max3A_9 : vector<16xf32>, vector<16xi1> -> vector<16xf32>
    %reduce_max3A_11 = vector.extract %reduce_max3A_10[15] : f32 from vector<16xf32>
    %iota3A = tpu.iota {dimensions = array<i32: 0>} : vector<16xi32>
    %lt3A = arith.constant 8 : i32
    %lt3A_12 = vector.broadcast %lt3A : i32 to vector<16xi32>
    %lt3A_13 = arith.cmpi slt, %iota3A, %lt3A_12 : vector<16xi32>
    %sub3A = vector.broadcast %reduce_max3A_11 : f32 to vector<16xf32>
    %sub3A_14 = arith.subf %scan3A_7#0, %sub3A : vector<16xf32>
    %exp3A = math.exp %sub3A_14 : vector<16xf32>
    %jit3A = arith.constant 0.000000e+00 : f32
    %broadcast_in_dim3A_15 = vector.broadcast %jit3A : f32 to vector<16xf32>
    %select_n3A = arith.select %lt3A_13, %exp3A, %broadcast_in_dim3A_15 : vector<16xi1>, vector<16xf32>
    %reduce_sum3A = arith.constant true
    %reduce_sum3A_16 = vector.broadcast %reduce_sum3A : i1 to vector<16xi1>
    %reduce_sum3A_17 = tpu.scan <sum>, %select_n3A masked %reduce_sum3A_16 : vector<16xf32>, vector<16xi1> -> vector<16xf32>
    %reduce_sum3A_18 = vector.extract %reduce_sum3A_17[15] : f32 from vector<16xf32>
    %div3A = vector.broadcast %reduce_sum3A_18 : f32 to vector<16xf32>
    %div3A_19 = arith.divf %select_n3A, %div3A : vector<16xf32>
    %swap3A = arith.constant 0 : i32
    %swap3A_20 = arith.index_cast %swap3A : i32 to index
    %swap3A_21 = arith.constant 0 : index
    %swap3A_22 = tpu.vector_load %arg6[%swap3A_20, %swap3A_21] {strides = array<i32>} : memref<1x16xf32, #tpu.memory_space<vmem>>, vector<16xf32>,
    tpu.vector_store %arg6[%swap3A_20, %swap3A_21], %div3A_19 {strides = array<i32>} : memref<1x16xf32, #tpu.memory_space<vmem>>, vector<16xf32>,
    %swap3A_23 = arith.constant 0 : i32
    %swap3A_24 = arith.index_cast %swap3A_23 : i32 to index
    %swap3A_25 = arith.constant 0 : index
    %swap3A_26 = tpu.vector_load %arg7[%swap3A_24, %swap3A_25] {strides = array<i32>} : memref<1x16xi32, #tpu.memory_space<vmem>>, vector<16xi32>,
    tpu.vector_store %arg7[%swap3A_24, %swap3A_25], %scan3A_7#1 {strides = array<i32>} : memref<1x16xi32, #tpu.memory_space<vmem>>, vector<16xi32>,
    "tpu.region"() ({
      %run_scoped3A = tpu.sem_alloc : memref<!tpu.dma_semaphore, #tpu.memory_space<semaphore_mem>>
      %dma_start3A = arith.constant 0 : i32
      %dma_start3A_27 = arith.constant 0 : i32
      %dma_start3A_28 = tpu.memref_slice %arg3[%add3A, %dma_start3A, %dma_start3A_27] : memref<32x1x16xf32, #tpu.memory_space<hbm>> -> memref<1x1x16xf32, #tpu.memory_space<hbm>>
      %dma_start3A_29 = tpu.memref_squeeze %dma_start3A_28 : memref<1x1x16xf32, #tpu.memory_space<hbm>> -> memref<1x16xf32, #tpu.memory_space<hbm>>
      %dma_start3A_30 = arith.constant 0 : i32
      %dma_start3A_31 = arith.constant 0 : i32
      %dma_start3A_32 = tpu.memref_slice %arg3[%add3A, %dma_start3A_30, %dma_start3A_31] : memref<32x1x16xf32, #tpu.memory_space<hbm>> -> memref<1x1x16xf32, #tpu.memory_space<hbm>>
      %dma_start3A_33 = tpu.memref_squeeze %dma_start3A_32 : memref<1x1x16xf32, #tpu.memory_space<hbm>> -> memref<1x16xf32, #tpu.memory_space<hbm>>
      tpu.enqueue_dma source(%arg6 : memref<1x16xf32, #tpu.memory_space<vmem>>) target(%dma_start3A_33 : memref<1x16xf32, #tpu.memory_space<hbm>>) target_semaphore(%run_scoped3A : memref<!tpu.dma_semaphore, #tpu.memory_space<semaphore_mem>>)
      %dma_wait3A = arith.constant 0 : i32
      %dma_wait3A_34 = arith.constant 0 : i32
      %dma_wait3A_35 = tpu.memref_slice %arg3[%add3A, %dma_wait3A, %dma_wait3A_34] : memref<32x1x16xf32, #tpu.memory_space<hbm>> -> memref<1x1x16xf32, #tpu.memory_space<hbm>>
      %dma_wait3A_36 = tpu.memref_squeeze %dma_wait3A_35 : memref<1x1x16xf32, #tpu.memory_space<hbm>> -> memref<1x16xf32, #tpu.memory_space<hbm>>
      %dma_wait3A_37 = arith.constant 0 : i32
      %dma_wait3A_38 = arith.constant 0 : i32
      %dma_wait3A_39 = tpu.memref_slice %arg3[%add3A, %dma_wait3A_37, %dma_wait3A_38] : memref<32x1x16xf32, #tpu.memory_space<hbm>> -> memref<1x1x16xf32, #tpu.memory_space<hbm>>
      %dma_wait3A_40 = tpu.memref_squeeze %dma_wait3A_39 : memref<1x1x16xf32, #tpu.memory_space<hbm>> -> memref<1x16xf32, #tpu.memory_space<hbm>>
      tpu.wait_dma2 semaphore(%run_scoped3A : memref<!tpu.dma_semaphore, #tpu.memory_space<semaphore_mem>>) src(%arg6 : memref<1x16xf32, #tpu.memory_space<vmem>>) dst(%dma_wait3A_40 : memref<1x16xf32, #tpu.memory_space<hbm>>)
      tpu.yield
    }) : () -> ()
    "tpu.region"() ({
      %run_scoped3A = tpu.sem_alloc : memref<!tpu.dma_semaphore, #tpu.memory_space<semaphore_mem>>
      %dma_start3A = arith.constant 0 : i32
      %dma_start3A_27 = arith.constant 0 : i32
      %dma_start3A_28 = tpu.memref_slice %arg4[%add3A, %dma_start3A, %dma_start3A_27] : memref<32x1x16xi32, #tpu.memory_space<hbm>> -> memref<1x1x16xi32, #tpu.memory_space<hbm>>
      %dma_start3A_29 = tpu.memref_squeeze %dma_start3A_28 : memref<1x1x16xi32, #tpu.memory_space<hbm>> -> memref<1x16xi32, #tpu.memory_space<hbm>>
      %dma_start3A_30 = arith.constant 0 : i32
      %dma_start3A_31 = arith.constant 0 : i32
      %dma_start3A_32 = tpu.memref_slice %arg4[%add3A, %dma_start3A_30, %dma_start3A_31] : memref<32x1x16xi32, #tpu.memory_space<hbm>> -> memref<1x1x16xi32, #tpu.memory_space<hbm>>
      %dma_start3A_33 = tpu.memref_squeeze %dma_start3A_32 : memref<1x1x16xi32, #tpu.memory_space<hbm>> -> memref<1x16xi32, #tpu.memory_space<hbm>>
      tpu.enqueue_dma source(%arg7 : memref<1x16xi32, #tpu.memory_space<vmem>>) target(%dma_start3A_33 : memref<1x16xi32, #tpu.memory_space<hbm>>) target_semaphore(%run_scoped3A : memref<!tpu.dma_semaphore, #tpu.memory_space<semaphore_mem>>)
      %dma_wait3A = arith.constant 0 : i32
      %dma_wait3A_34 = arith.constant 0 : i32
      %dma_wait3A_35 = tpu.memref_slice %arg4[%add3A, %dma_wait3A, %dma_wait3A_34] : memref<32x1x16xi32, #tpu.memory_space<hbm>> -> memref<1x1x16xi32, #tpu.memory_space<hbm>>
      %dma_wait3A_36 = tpu.memref_squeeze %dma_wait3A_35 : memref<1x1x16xi32, #tpu.memory_space<hbm>> -> memref<1x16xi32, #tpu.memory_space<hbm>>
      %dma_wait3A_37 = arith.constant 0 : i32
      %dma_wait3A_38 = arith.constant 0 : i32
      %dma_wait3A_39 = tpu.memref_slice %arg4[%add3A, %dma_wait3A_37, %dma_wait3A_38] : memref<32x1x16xi32, #tpu.memory_space<hbm>> -> memref<1x1x16xi32, #tpu.memory_space<hbm>>
      %dma_wait3A_40 = tpu.memref_squeeze %dma_wait3A_39 : memref<1x1x16xi32, #tpu.memory_space<hbm>> -> memref<1x16xi32, #tpu.memory_space<hbm>>
      tpu.wait_dma2 semaphore(%run_scoped3A : memref<!tpu.dma_semaphore, #tpu.memory_space<semaphore_mem>>) src(%arg7 : memref<1x16xi32, #tpu.memory_space<vmem>>) dst(%dma_wait3A_40 : memref<1x16xi32, #tpu.memory_space<hbm>>)
      tpu.yield
    }) : () -> ()
    return
  }
}

module attributes {stable_mosaic.version = 14 : i64} {
  func.func @_mm_bias_kernel(%arg0: i32, %arg1: i32, %arg2: i32, %arg3: memref<512x1024xf32, #tpu.memory_space<vmem>>, %arg4: memref<1024x1024xf32, #tpu.memory_space<vmem>>, %arg5: memref<1x1024xf32, #tpu.memory_space<vmem>>, %arg6: memref<512x1024xf32, #tpu.memory_space<vmem>>) attributes {dimension_semantics = [#tpu.dimension_semantics<parallel>, #tpu.dimension_semantics<parallel>, #tpu.dimension_semantics<arbitrary>], iteration_bounds = array<i64: 8, 1, 1>, scalar_prefetch = 0 : i64, scratch_operands = 0 : i64, tpu.core_type = #tpu.core_type<tc>, window_params = [{transform_indices = @transform_0, window_bounds = array<i64: 512, 1024>}, {transform_indices = @transform_1, window_bounds = array<i64: 1024, 1024>}, {transform_indices = @transform_2, window_bounds = array<i64: 1, 1024>}, {transform_indices = @transform_3, window_bounds = array<i64: 512, 1024>}]} {
    %eq3A = arith.constant 0 : i32
    %eq3A_0 = arith.cmpi eq, %arg2, %eq3A : i32
    %convert_element_type3A = arith.extui %eq3A_0 : i1 to i32
    %cond3A = arith.constant 0 : i32
    %cond3A_1 = arith.cmpi ne, %convert_element_type3A, %cond3A : i32
    scf.if %cond3A_1 {
      %get3A_13 = arith.constant 0 : index
      %get3A_14 = arith.constant 0 : index
      %get3A_15 = vector.load %arg5[%get3A_13, %get3A_14] : memref<1x1024xf32, #tpu.memory_space<vmem>>, vector<1x1024xf32>
      %broadcast_in_dim3A = vector.shape_cast %get3A_15 : vector<1x1024xf32> to vector<1x1024xf32>
      %broadcast_in_dim3A_16 = vector.broadcast %broadcast_in_dim3A : vector<1x1024xf32> to vector<512x1024xf32>
      %swap3A_17 = arith.constant 0 : index
      %swap3A_18 = arith.constant 0 : index
      %swap3A_19 = vector.load %arg6[%swap3A_17, %swap3A_18] : memref<512x1024xf32, #tpu.memory_space<vmem>>, vector<512x1024xf32>
      tpu.vector_store %arg6[%swap3A_17, %swap3A_18], %broadcast_in_dim3A_16 {strides = array<i32>} : memref<512x1024xf32, #tpu.memory_space<vmem>>, vector<512x1024xf32>,
    } else {
    }
    %get3A = arith.constant 0 : index
    %get3A_2 = arith.constant 0 : index
    %get3A_3 = vector.load %arg6[%get3A, %get3A_2] : memref<512x1024xf32, #tpu.memory_space<vmem>>, vector<512x1024xf32>
    %get3A_4 = arith.constant 0 : index
    %get3A_5 = arith.constant 0 : index
    %get3A_6 = vector.load %arg3[%get3A_4, %get3A_5] : memref<512x1024xf32, #tpu.memory_space<vmem>>, vector<512x1024xf32>
    %get3A_7 = arith.constant 0 : index
    %get3A_8 = arith.constant 0 : index
    %get3A_9 = vector.load %arg4[%get3A_7, %get3A_8] : memref<1024x1024xf32, #tpu.memory_space<vmem>>, vector<1024x1024xf32>
    %dot_general3A = arith.constant dense<0.000000e+00> : vector<512x1024xf32>
    %dot_general3A_10 = tpu.matmul %get3A_6, %get3A_9, %dot_general3A {dimension_numbers = #tpu.dot_dimension_numbers<[1], [0], [0], [1], [0, 0, 1, 1], [], []>, transpose_lhs_hint = false} : vector<512x1024xf32>, vector<1024x1024xf32>, vector<512x1024xf32> -> vector<512x1024xf32>
    %add3A = arith.addf %get3A_3, %dot_general3A_10 : vector<512x1024xf32>
    %swap3A = arith.constant 0 : index
    %swap3A_11 = arith.constant 0 : index
    %swap3A_12 = vector.load %arg6[%swap3A, %swap3A_11] : memref<512x1024xf32, #tpu.memory_space<vmem>>, vector<512x1024xf32>
    tpu.vector_store %arg6[%swap3A, %swap3A_11], %add3A {strides = array<i32>} : memref<512x1024xf32, #tpu.memory_space<vmem>>, vector<512x1024xf32>,
    return
  }
  func.func @transform_0(%arg0: i32, %arg1: i32, %arg2: i32) -> (i32, i32) {
    %c0_i32 = arith.constant 0 : i32
    return %arg0, %arg2 : i32, i32
  }
  func.func @transform_1(%arg0: i32, %arg1: i32, %arg2: i32) -> (i32, i32) {
    %c0_i32 = arith.constant 0 : i32
    return %arg2, %arg1 : i32, i32
  }
  func.func @transform_2(%arg0: i32, %arg1: i32, %arg2: i32) -> (i32, i32) {
    %c0_i32 = arith.constant 0 : i32
    %c0_i32_0 = arith.constant 0 : i32
    return %c0_i32, %arg1 : i32, i32
  }
  func.func @transform_3(%arg0: i32, %arg1: i32, %arg2: i32) -> (i32, i32) {
    %c0_i32 = arith.constant 0 : i32
    return %arg0, %arg1 : i32, i32
  }
}

module attributes {stable_mosaic.version = 14 : i64} {
  func.func @_fwdspec_kernel(%arg0: i32, %arg1: i32, %arg2: i32, %arg3: i32, %arg4: memref<384x512xf32, #tpu.memory_space<vmem>>, %arg5: memref<384x512xf32, #tpu.memory_space<vmem>>, %arg6: memref<1x512x1024xf32, #tpu.memory_space<vmem>>, %arg7: memref<1x512x1024xf32, #tpu.memory_space<vmem>>, %arg8: memref<1024x16xf32, #tpu.memory_space<vmem>>, %arg9: memref<1x384x16xf32, #tpu.memory_space<vmem>>, %arg10: memref<1x384x16xf32, #tpu.memory_space<vmem>>, %arg11: memref<384x1024xf32, #tpu.memory_space<vmem>>, %arg12: memref<384x1024xf32, #tpu.memory_space<vmem>>, %arg13: memref<384x1024xf32, #tpu.memory_space<vmem>>, %arg14: memref<384x1024xf32, #tpu.memory_space<vmem>>) attributes {dimension_semantics = [#tpu.dimension_semantics<parallel>, #tpu.dimension_semantics<parallel>, #tpu.dimension_semantics<arbitrary>, #tpu.dimension_semantics<arbitrary>], iteration_bounds = array<i64: 2, 3, 1, 4>, scalar_prefetch = 0 : i64, scratch_operands = 4 : i64, tpu.core_type = #tpu.core_type<tc>, window_params = [{transform_indices = @transform_0, window_bounds = array<i64: 384, 512>}, {transform_indices = @transform_1, window_bounds = array<i64: 384, 512>}, {transform_indices = @transform_2, window_bounds = array<i64: 1, 512, 1024>}, {transform_indices = @transform_3, window_bounds = array<i64: 1, 512, 1024>}, {transform_indices = @transform_4, window_bounds = array<i64: 1024, 16>}, {transform_indices = @transform_5, window_bounds = array<i64: 1, 384, 16>}, {transform_indices = @transform_6, window_bounds = array<i64: 1, 384, 16>}]} {
    %eq3A = arith.constant 0 : i32
    %eq3A_0 = arith.cmpi eq, %arg3, %eq3A : i32
    %convert_element_type3A = arith.extui %eq3A_0 : i1 to i32
    %cond3A = arith.constant 0 : i32
    %cond3A_1 = arith.cmpi ne, %convert_element_type3A, %cond3A : i32
    scf.if %cond3A_1 {
      %broadcast_in_dim3A = arith.constant 0.000000e+00 : f32
      %broadcast_in_dim3A_55 = vector.broadcast %broadcast_in_dim3A : f32 to vector<384x1024xf32>
      %swap3A_56 = arith.constant 0 : index
      %swap3A_57 = arith.constant 0 : index
      %swap3A_58 = vector.load %arg11[%swap3A_56, %swap3A_57] : memref<384x1024xf32, #tpu.memory_space<vmem>>, vector<384x1024xf32>
      tpu.vector_store %arg11[%swap3A_56, %swap3A_57], %broadcast_in_dim3A_55 {strides = array<i32>} : memref<384x1024xf32, #tpu.memory_space<vmem>>, vector<384x1024xf32>,
      %broadcast_in_dim3A_59 = arith.constant 0.000000e+00 : f32
      %broadcast_in_dim3A_60 = vector.broadcast %broadcast_in_dim3A_59 : f32 to vector<384x1024xf32>
      %swap3A_61 = arith.constant 0 : index
      %swap3A_62 = arith.constant 0 : index
      %swap3A_63 = vector.load %arg12[%swap3A_61, %swap3A_62] : memref<384x1024xf32, #tpu.memory_space<vmem>>, vector<384x1024xf32>
      tpu.vector_store %arg12[%swap3A_61, %swap3A_62], %broadcast_in_dim3A_60 {strides = array<i32>} : memref<384x1024xf32, #tpu.memory_space<vmem>>, vector<384x1024xf32>,
      %broadcast_in_dim3A_64 = arith.constant 0.000000e+00 : f32
      %broadcast_in_dim3A_65 = vector.broadcast %broadcast_in_dim3A_64 : f32 to vector<384x1024xf32>
      %swap3A_66 = arith.constant 0 : index
      %swap3A_67 = arith.constant 0 : index
      %swap3A_68 = vector.load %arg13[%swap3A_66, %swap3A_67] : memref<384x1024xf32, #tpu.memory_space<vmem>>, vector<384x1024xf32>
      tpu.vector_store %arg13[%swap3A_66, %swap3A_67], %broadcast_in_dim3A_65 {strides = array<i32>} : memref<384x1024xf32, #tpu.memory_space<vmem>>, vector<384x1024xf32>,
      %broadcast_in_dim3A_69 = arith.constant 0.000000e+00 : f32
      %broadcast_in_dim3A_70 = vector.broadcast %broadcast_in_dim3A_69 : f32 to vector<384x1024xf32>
      %swap3A_71 = arith.constant 0 : index
      %swap3A_72 = arith.constant 0 : index
      %swap3A_73 = vector.load %arg14[%swap3A_71, %swap3A_72] : memref<384x1024xf32, #tpu.memory_space<vmem>>, vector<384x1024xf32>
      tpu.vector_store %arg14[%swap3A_71, %swap3A_72], %broadcast_in_dim3A_70 {strides = array<i32>} : memref<384x1024xf32, #tpu.memory_space<vmem>>, vector<384x1024xf32>,
    } else {
    }
    %get3A = arith.constant 0 : index
    %get3A_2 = arith.constant 0 : index
    %get3A_3 = vector.load %arg4[%get3A, %get3A_2] : memref<384x512xf32, #tpu.memory_space<vmem>>, vector<384x512xf32>
    %get3A_4 = arith.constant 0 : index
    %get3A_5 = arith.constant 0 : index
    %get3A_6 = vector.load %arg5[%get3A_4, %get3A_5] : memref<384x512xf32, #tpu.memory_space<vmem>>, vector<384x512xf32>
    %get3A_7 = arith.constant 0 : index
    %get3A_8 = arith.constant 0 : index
    %get3A_9 = arith.constant 0 : index
    %get3A_10 = vector.load %arg6[%get3A_7, %get3A_8, %get3A_9] : memref<1x512x1024xf32, #tpu.memory_space<vmem>>, vector<1x512x1024xf32>
    %get3A_11 = vector.shape_cast %get3A_10 : vector<1x512x1024xf32> to vector<512x1024xf32>
    %get3A_12 = arith.constant 0 : index
    %get3A_13 = arith.constant 0 : index
    %get3A_14 = arith.constant 0 : index
    %get3A_15 = vector.load %arg7[%get3A_12, %get3A_13, %get3A_14] : memref<1x512x1024xf32, #tpu.memory_space<vmem>>, vector<1x512x1024xf32>
    %get3A_16 = vector.shape_cast %get3A_15 : vector<1x512x1024xf32> to vector<512x1024xf32>
    %get3A_17 = arith.constant 0 : index
    %get3A_18 = arith.constant 0 : index
    %get3A_19 = vector.load %arg11[%get3A_17, %get3A_18] : memref<384x1024xf32, #tpu.memory_space<vmem>>, vector<384x1024xf32>
    %dot_general3A = arith.constant dense<0.000000e+00> : vector<384x1024xf32>
    %dot_general3A_20 = tpu.matmul %get3A_3, %get3A_11, %dot_general3A {dimension_numbers = #tpu.dot_dimension_numbers<[1], [0], [0], [1], [0, 0, 1, 1], [], []>, precision = #tpu.contract_precision<fp32>, transpose_lhs_hint = false} : vector<384x512xf32>, vector<512x1024xf32>, vector<384x1024xf32> -> vector<384x1024xf32>
    %add3A = arith.addf %get3A_19, %dot_general3A_20 : vector<384x1024xf32>
    %swap3A = arith.constant 0 : index
    %swap3A_21 = arith.constant 0 : index
    %swap3A_22 = vector.load %arg11[%swap3A, %swap3A_21] : memref<384x1024xf32, #tpu.memory_space<vmem>>, vector<384x1024xf32>
    tpu.vector_store %arg11[%swap3A, %swap3A_21], %add3A {strides = array<i32>} : memref<384x1024xf32, #tpu.memory_space<vmem>>, vector<384x1024xf32>,
    %get3A_23 = arith.constant 0 : index
    %get3A_24 = arith.constant 0 : index
    %get3A_25 = vector.load %arg12[%get3A_23, %get3A_24] : memref<384x1024xf32, #tpu.memory_space<vmem>>, vector<384x1024xf32>
    %dot_general3A_26 = arith.constant dense<0.000000e+00> : vector<384x1024xf32>
    %dot_general3A_27 = tpu.matmul %get3A_6, %get3A_11, %dot_general3A_26 {dimension_numbers = #tpu.dot_dimension_numbers<[1], [0], [0], [1], [0, 0, 1, 1], [], []>, precision = #tpu.contract_precision<fp32>, transpose_lhs_hint = false} : vector<384x512xf32>, vector<512x1024xf32>, vector<384x1024xf32> -> vector<384x1024xf32>
    %add3A_28 = arith.addf %get3A_25, %dot_general3A_27 : vector<384x1024xf32>
    %swap3A_29 = arith.constant 0 : index
    %swap3A_30 = arith.constant 0 : index
    %swap3A_31 = vector.load %arg12[%swap3A_29, %swap3A_30] : memref<384x1024xf32, #tpu.memory_space<vmem>>, vector<384x1024xf32>
    tpu.vector_store %arg12[%swap3A_29, %swap3A_30], %add3A_28 {strides = array<i32>} : memref<384x1024xf32, #tpu.memory_space<vmem>>, vector<384x1024xf32>,
    %get3A_32 = arith.constant 0 : index
    %get3A_33 = arith.constant 0 : index
    %get3A_34 = vector.load %arg13[%get3A_32, %get3A_33] : memref<384x1024xf32, #tpu.memory_space<vmem>>, vector<384x1024xf32>
    %dot_general3A_35 = arith.constant dense<0.000000e+00> : vector<384x1024xf32>
    %dot_general3A_36 = tpu.matmul %get3A_3, %get3A_16, %dot_general3A_35 {dimension_numbers = #tpu.dot_dimension_numbers<[1], [0], [0], [1], [0, 0, 1, 1], [], []>, precision = #tpu.contract_precision<fp32>, transpose_lhs_hint = false} : vector<384x512xf32>, vector<512x1024xf32>, vector<384x1024xf32> -> vector<384x1024xf32>
    %add3A_37 = arith.addf %get3A_34, %dot_general3A_36 : vector<384x1024xf32>
    %swap3A_38 = arith.constant 0 : index
    %swap3A_39 = arith.constant 0 : index
    %swap3A_40 = vector.load %arg13[%swap3A_38, %swap3A_39] : memref<384x1024xf32, #tpu.memory_space<vmem>>, vector<384x1024xf32>
    tpu.vector_store %arg13[%swap3A_38, %swap3A_39], %add3A_37 {strides = array<i32>} : memref<384x1024xf32, #tpu.memory_space<vmem>>, vector<384x1024xf32>,
    %get3A_41 = arith.constant 0 : index
    %get3A_42 = arith.constant 0 : index
    %get3A_43 = vector.load %arg14[%get3A_41, %get3A_42] : memref<384x1024xf32, #tpu.memory_space<vmem>>, vector<384x1024xf32>
    %dot_general3A_44 = arith.constant dense<0.000000e+00> : vector<384x1024xf32>
    %dot_general3A_45 = tpu.matmul %get3A_6, %get3A_16, %dot_general3A_44 {dimension_numbers = #tpu.dot_dimension_numbers<[1], [0], [0], [1], [0, 0, 1, 1], [], []>, precision = #tpu.contract_precision<fp32>, transpose_lhs_hint = false} : vector<384x512xf32>, vector<512x1024xf32>, vector<384x1024xf32> -> vector<384x1024xf32>
    %add3A_46 = arith.addf %get3A_43, %dot_general3A_45 : vector<384x1024xf32>
    %swap3A_47 = arith.constant 0 : index
    %swap3A_48 = arith.constant 0 : index
    %swap3A_49 = vector.load %arg14[%swap3A_47, %swap3A_48] : memref<384x1024xf32, #tpu.memory_space<vmem>>, vector<384x1024xf32>
    tpu.vector_store %arg14[%swap3A_47, %swap3A_48], %add3A_46 {strides = array<i32>} : memref<384x1024xf32, #tpu.memory_space<vmem>>, vector<384x1024xf32>,
    %eq3A_50 = arith.constant 3 : i32
    %eq3A_51 = arith.cmpi eq, %arg3, %eq3A_50 : i32
    %convert_element_type3A_52 = arith.extui %eq3A_51 : i1 to i32
    %cond3A_53 = arith.constant 0 : i32
    %cond3A_54 = arith.cmpi ne, %convert_element_type3A_52, %cond3A_53 : i32
    scf.if %cond3A_54 {
      %eq3A_55 = arith.constant 0 : i32
      %eq3A_56 = arith.cmpi eq, %arg2, %eq3A_55 : i32
      %convert_element_type3A_57 = arith.extui %eq3A_56 : i1 to i32
      %cond3A_58 = arith.constant 0 : i32
      %cond3A_59 = arith.cmpi ne, %convert_element_type3A_57, %cond3A_58 : i32
      scf.if %cond3A_59 {
        %broadcast_in_dim3A = arith.constant 0.000000e+00 : f32
        %broadcast_in_dim3A_107 = vector.broadcast %broadcast_in_dim3A : f32 to vector<1x384x16xf32>
        %swap3A_108 = arith.constant 0 : index
        %swap3A_109 = arith.constant 0 : index
        %swap3A_110 = arith.constant 0 : index
        %swap3A_111 = vector.load %arg9[%swap3A_108, %swap3A_109, %swap3A_110] : memref<1x384x16xf32, #tpu.memory_space<vmem>>, vector<1x384x16xf32>
        tpu.vector_store %arg9[%swap3A_108, %swap3A_109, %swap3A_110], %broadcast_in_dim3A_107 {strides = array<i32>} : memref<1x384x16xf32, #tpu.memory_space<vmem>>, vector<1x384x16xf32>,
        %broadcast_in_dim3A_112 = arith.constant 0.000000e+00 : f32
        %broadcast_in_dim3A_113 = vector.broadcast %broadcast_in_dim3A_112 : f32 to vector<1x384x16xf32>
        %swap3A_114 = arith.constant 0 : index
        %swap3A_115 = arith.constant 0 : index
        %swap3A_116 = arith.constant 0 : index
        %swap3A_117 = vector.load %arg10[%swap3A_114, %swap3A_115, %swap3A_116] : memref<1x384x16xf32, #tpu.memory_space<vmem>>, vector<1x384x16xf32>
        tpu.vector_store %arg10[%swap3A_114, %swap3A_115, %swap3A_116], %broadcast_in_dim3A_113 {strides = array<i32>} : memref<1x384x16xf32, #tpu.memory_space<vmem>>, vector<1x384x16xf32>,
      } else {
      }
      %get3A_60 = arith.constant 0 : index
      %get3A_61 = arith.constant 0 : index
      %get3A_62 = vector.load %arg11[%get3A_60, %get3A_61] : memref<384x1024xf32, #tpu.memory_space<vmem>>, vector<384x1024xf32>
      %get3A_63 = arith.constant 0 : index
      %get3A_64 = arith.constant 0 : index
      %get3A_65 = vector.load %arg12[%get3A_63, %get3A_64] : memref<384x1024xf32, #tpu.memory_space<vmem>>, vector<384x1024xf32>
      %get3A_66 = arith.constant 0 : index
      %get3A_67 = arith.constant 0 : index
      %get3A_68 = vector.load %arg13[%get3A_66, %get3A_67] : memref<384x1024xf32, #tpu.memory_space<vmem>>, vector<384x1024xf32>
      %get3A_69 = arith.constant 0 : index
      %get3A_70 = arith.constant 0 : index
      %get3A_71 = vector.load %arg14[%get3A_69, %get3A_70] : memref<384x1024xf32, #tpu.memory_space<vmem>>, vector<384x1024xf32>
      %get3A_72 = arith.constant 0 : index
      %get3A_73 = arith.constant 0 : index
      %get3A_74 = vector.load %arg8[%get3A_72, %get3A_73] : memref<1024x16xf32, #tpu.memory_space<vmem>>, vector<1024x16xf32>
      %get3A_75 = arith.constant 0 : index
      %get3A_76 = arith.constant 0 : index
      %get3A_77 = arith.constant 0 : index
      %get3A_78 = vector.load %arg9[%get3A_75, %get3A_76, %get3A_77] : memref<1x384x16xf32, #tpu.memory_space<vmem>>, vector<1x384x16xf32>
      %get3A_79 = vector.shape_cast %get3A_78 : vector<1x384x16xf32> to vector<384x16xf32>
      %mul3A = arith.mulf %get3A_62, %get3A_68 : vector<384x1024xf32>
      %mul3A_80 = arith.mulf %get3A_65, %get3A_71 : vector<384x1024xf32>
      %add3A_81 = arith.addf %mul3A, %mul3A_80 : vector<384x1024xf32>
      %dot_general3A_82 = arith.constant dense<0.000000e+00> : vector<384x16xf32>
      %dot_general3A_83 = tpu.matmul %add3A_81, %get3A_74, %dot_general3A_82 {dimension_numbers = #tpu.dot_dimension_numbers<[1], [0], [0], [1], [0, 0, 1, 1], [], []>, precision = #tpu.contract_precision<fp32>, transpose_lhs_hint = false} : vector<384x1024xf32>, vector<1024x16xf32>, vector<384x16xf32> -> vector<384x16xf32>
      %add3A_84 = arith.addf %get3A_79, %dot_general3A_83 : vector<384x16xf32>
      %swap3A_85 = arith.constant 0 : index
      %swap3A_86 = arith.constant 0 : index
      %swap3A_87 = arith.constant 0 : index
      %swap3A_88 = vector.load %arg9[%swap3A_85, %swap3A_86, %swap3A_87] : memref<1x384x16xf32, #tpu.memory_space<vmem>>, vector<1x384x16xf32>
      %swap3A_89 = vector.shape_cast %swap3A_88 : vector<1x384x16xf32> to vector<384x16xf32>
      %swap3A_90 = vector.shape_cast %add3A_84 : vector<384x16xf32> to vector<1x384x16xf32>
      tpu.vector_store %arg9[%swap3A_85, %swap3A_86, %swap3A_87], %swap3A_90 {strides = array<i32>} : memref<1x384x16xf32, #tpu.memory_space<vmem>>, vector<1x384x16xf32>,
      %get3A_91 = arith.constant 0 : index
      %get3A_92 = arith.constant 0 : index
      %get3A_93 = arith.constant 0 : index
      %get3A_94 = vector.load %arg10[%get3A_91, %get3A_92, %get3A_93] : memref<1x384x16xf32, #tpu.memory_space<vmem>>, vector<1x384x16xf32>
      %get3A_95 = vector.shape_cast %get3A_94 : vector<1x384x16xf32> to vector<384x16xf32>
      %mul3A_96 = arith.mulf %get3A_62, %get3A_71 : vector<384x1024xf32>
      %mul3A_97 = arith.mulf %get3A_65, %get3A_68 : vector<384x1024xf32>
      %sub3A = arith.subf %mul3A_96, %mul3A_97 : vector<384x1024xf32>
      %dot_general3A_98 = arith.constant dense<0.000000e+00> : vector<384x16xf32>
      %dot_general3A_99 = tpu.matmul %sub3A, %get3A_74, %dot_general3A_98 {dimension_numbers = #tpu.dot_dimension_numbers<[1], [0], [0], [1], [0, 0, 1, 1], [], []>, precision = #tpu.contract_precision<fp32>, transpose_lhs_hint = false} : vector<384x1024xf32>, vector<1024x16xf32>, vector<384x16xf32> -> vector<384x16xf32>
      %add3A_100 = arith.addf %get3A_95, %dot_general3A_99 : vector<384x16xf32>
      %swap3A_101 = arith.constant 0 : index
      %swap3A_102 = arith.constant 0 : index
      %swap3A_103 = arith.constant 0 : index
      %swap3A_104 = vector.load %arg10[%swap3A_101, %swap3A_102, %swap3A_103] : memref<1x384x16xf32, #tpu.memory_space<vmem>>, vector<1x384x16xf32>
      %swap3A_105 = vector.shape_cast %swap3A_104 : vector<1x384x16xf32> to vector<384x16xf32>
      %swap3A_106 = vector.shape_cast %add3A_100 : vector<384x16xf32> to vector<1x384x16xf32>
      tpu.vector_store %arg10[%swap3A_101, %swap3A_102, %swap3A_103], %swap3A_106 {strides = array<i32>} : memref<1x384x16xf32, #tpu.memory_space<vmem>>, vector<1x384x16xf32>,
    } else {
    }
    return
  }
  func.func @transform_0(%arg0: i32, %arg1: i32, %arg2: i32, %arg3: i32) -> (i32, i32) {
    %c0_i32 = arith.constant 0 : i32
    return %arg1, %arg3 : i32, i32
  }
  func.func @transform_1(%arg0: i32, %arg1: i32, %arg2: i32, %arg3: i32) -> (i32, i32) {
    %c0_i32 = arith.constant 0 : i32
    return %arg1, %arg3 : i32, i32
  }
  func.func @transform_2(%arg0: i32, %arg1: i32, %arg2: i32, %arg3: i32) -> (i32, i32, i32) {
    %c0_i32 = arith.constant 0 : i32
    return %arg0, %arg3, %arg2 : i32, i32, i32
  }
  func.func @transform_3(%arg0: i32, %arg1: i32, %arg2: i32, %arg3: i32) -> (i32, i32, i32) {
    %c0_i32 = arith.constant 0 : i32
    return %arg0, %arg3, %arg2 : i32, i32, i32
  }
  func.func @transform_4(%arg0: i32, %arg1: i32, %arg2: i32, %arg3: i32) -> (i32, i32) {
    %c0_i32 = arith.constant 0 : i32
    %c0_i32_0 = arith.constant 0 : i32
    return %arg2, %c0_i32 : i32, i32
  }
  func.func @transform_5(%arg0: i32, %arg1: i32, %arg2: i32, %arg3: i32) -> (i32, i32, i32) {
    %c0_i32 = arith.constant 0 : i32
    %c0_i32_0 = arith.constant 0 : i32
    return %arg0, %arg1, %c0_i32 : i32, i32, i32
  }
  func.func @transform_6(%arg0: i32, %arg1: i32, %arg2: i32, %arg3: i32) -> (i32, i32, i32) {
    %c0_i32 = arith.constant 0 : i32
    %c0_i32_0 = arith.constant 0 : i32
    return %arg0, %arg1, %c0_i32 : i32, i32, i32
  }
}

module attributes {stable_mosaic.version = 14 : i64} {
  func.func @_idft_kernel(%arg0: i32, %arg1: i32, %arg2: memref<32x384xf32, #tpu.memory_space<vmem>>, %arg3: memref<32x384xf32, #tpu.memory_space<vmem>>, %arg4: memref<384x512xf32, #tpu.memory_space<vmem>>, %arg5: memref<384x512xf32, #tpu.memory_space<vmem>>, %arg6: memref<32x512xf32, #tpu.memory_space<vmem>>) attributes {dimension_semantics = [#tpu.dimension_semantics<parallel>, #tpu.dimension_semantics<arbitrary>], iteration_bounds = array<i64: 4, 3>, scalar_prefetch = 0 : i64, scratch_operands = 0 : i64, tpu.core_type = #tpu.core_type<tc>, window_params = [{transform_indices = @transform_0, window_bounds = array<i64: 32, 384>}, {transform_indices = @transform_1, window_bounds = array<i64: 32, 384>}, {transform_indices = @transform_2, window_bounds = array<i64: 384, 512>}, {transform_indices = @transform_3, window_bounds = array<i64: 384, 512>}, {transform_indices = @transform_4, window_bounds = array<i64: 32, 512>}]} {
    %eq3A = arith.constant 0 : i32
    %eq3A_0 = arith.cmpi eq, %arg1, %eq3A : i32
    %convert_element_type3A = arith.extui %eq3A_0 : i1 to i32
    %cond3A = arith.constant 0 : i32
    %cond3A_1 = arith.cmpi ne, %convert_element_type3A, %cond3A : i32
    scf.if %cond3A_1 {
      %broadcast_in_dim3A = arith.constant 0.000000e+00 : f32
      %broadcast_in_dim3A_21 = vector.broadcast %broadcast_in_dim3A : f32 to vector<32x512xf32>
      %swap3A_22 = arith.constant 0 : index
      %swap3A_23 = arith.constant 0 : index
      %swap3A_24 = vector.load %arg6[%swap3A_22, %swap3A_23] : memref<32x512xf32, #tpu.memory_space<vmem>>, vector<32x512xf32>
      tpu.vector_store %arg6[%swap3A_22, %swap3A_23], %broadcast_in_dim3A_21 {strides = array<i32>} : memref<32x512xf32, #tpu.memory_space<vmem>>, vector<32x512xf32>,
    } else {
    }
    %get3A = arith.constant 0 : index
    %get3A_2 = arith.constant 0 : index
    %get3A_3 = vector.load %arg6[%get3A, %get3A_2] : memref<32x512xf32, #tpu.memory_space<vmem>>, vector<32x512xf32>
    %get3A_4 = arith.constant 0 : index
    %get3A_5 = arith.constant 0 : index
    %get3A_6 = vector.load %arg2[%get3A_4, %get3A_5] : memref<32x384xf32, #tpu.memory_space<vmem>>, vector<32x384xf32>
    %get3A_7 = arith.constant 0 : index
    %get3A_8 = arith.constant 0 : index
    %get3A_9 = vector.load %arg4[%get3A_7, %get3A_8] : memref<384x512xf32, #tpu.memory_space<vmem>>, vector<384x512xf32>
    %dot_general3A = arith.constant dense<0.000000e+00> : vector<32x512xf32>
    %dot_general3A_10 = tpu.matmul %get3A_6, %get3A_9, %dot_general3A {dimension_numbers = #tpu.dot_dimension_numbers<[1], [0], [0], [1], [0, 0, 1, 1], [], []>, precision = #tpu.contract_precision<fp32>, transpose_lhs_hint = false} : vector<32x384xf32>, vector<384x512xf32>, vector<32x512xf32> -> vector<32x512xf32>
    %get3A_11 = arith.constant 0 : index
    %get3A_12 = arith.constant 0 : index
    %get3A_13 = vector.load %arg3[%get3A_11, %get3A_12] : memref<32x384xf32, #tpu.memory_space<vmem>>, vector<32x384xf32>
    %get3A_14 = arith.constant 0 : index
    %get3A_15 = arith.constant 0 : index
    %get3A_16 = vector.load %arg5[%get3A_14, %get3A_15] : memref<384x512xf32, #tpu.memory_space<vmem>>, vector<384x512xf32>
    %dot_general3A_17 = arith.constant dense<0.000000e+00> : vector<32x512xf32>
    %dot_general3A_18 = tpu.matmul %get3A_13, %get3A_16, %dot_general3A_17 {dimension_numbers = #tpu.dot_dimension_numbers<[1], [0], [0], [1], [0, 0, 1, 1], [], []>, precision = #tpu.contract_precision<fp32>, transpose_lhs_hint = false} : vector<32x384xf32>, vector<384x512xf32>, vector<32x512xf32> -> vector<32x512xf32>
    %sub3A = arith.subf %dot_general3A_10, %dot_general3A_18 : vector<32x512xf32>
    %add3A = arith.addf %get3A_3, %sub3A : vector<32x512xf32>
    %swap3A = arith.constant 0 : index
    %swap3A_19 = arith.constant 0 : index
    %swap3A_20 = vector.load %arg6[%swap3A, %swap3A_19] : memref<32x512xf32, #tpu.memory_space<vmem>>, vector<32x512xf32>
    tpu.vector_store %arg6[%swap3A, %swap3A_19], %add3A {strides = array<i32>} : memref<32x512xf32, #tpu.memory_space<vmem>>, vector<32x512xf32>,
    return
  }
  func.func @transform_0(%arg0: i32, %arg1: i32) -> (i32, i32) {
    %c0_i32 = arith.constant 0 : i32
    %c0_i32_0 = arith.constant 0 : i32
    return %c0_i32, %arg1 : i32, i32
  }
  func.func @transform_1(%arg0: i32, %arg1: i32) -> (i32, i32) {
    %c0_i32 = arith.constant 0 : i32
    %c0_i32_0 = arith.constant 0 : i32
    return %c0_i32, %arg1 : i32, i32
  }
  func.func @transform_2(%arg0: i32, %arg1: i32) -> (i32, i32) {
    %c0_i32 = arith.constant 0 : i32
    return %arg1, %arg0 : i32, i32
  }
  func.func @transform_3(%arg0: i32, %arg1: i32) -> (i32, i32) {
    %c0_i32 = arith.constant 0 : i32
    return %arg1, %arg0 : i32, i32
  }
  func.func @transform_4(%arg0: i32, %arg1: i32) -> (i32, i32) {
    %c0_i32 = arith.constant 0 : i32
    %c0_i32_0 = arith.constant 0 : i32
    return %c0_i32, %arg0 : i32, i32
  }
}

module attributes {stable_mosaic.version = 14 : i64} {
  func.func @_agg_kernel(%arg0: i32, %arg1: i32, %arg2: memref<1x1x2x16xf32, #tpu.memory_space<vmem>>, %arg3: memref<1x1x2x16xi32, #tpu.memory_space<vmem>>, %arg4: memref<1x2048x128xf32, #tpu.memory_space<vmem>>, %arg5: memref<1x2048x128xf32, #tpu.memory_space<vmem>>, %arg6: memref<4096x128xf32, #tpu.memory_space<vmem>>) attributes {dimension_semantics = [#tpu.dimension_semantics<parallel>, #tpu.dimension_semantics<parallel>], iteration_bounds = array<i64: 2, 8>, scalar_prefetch = 0 : i64, scratch_operands = 1 : i64, tpu.core_type = #tpu.core_type<tc>, window_params = [{transform_indices = @transform_0, window_bounds = array<i64: 1, 1, 2, 16>}, {transform_indices = @transform_1, window_bounds = array<i64: 1, 1, 2, 16>}, {transform_indices = @transform_2, window_bounds = array<i64: 1, 2048, 128>}, {transform_indices = @transform_3, window_bounds = array<i64: 1, 2048, 128>}]} {
    %get3A = arith.constant 0 : index
    %get3A_0 = arith.constant 0 : index
    %get3A_1 = arith.constant 0 : index
    %get3A_2 = vector.load %arg4[%get3A, %get3A_0, %get3A_1] : memref<1x2048x128xf32, #tpu.memory_space<vmem>>, vector<1x2048x128xf32>
    %get3A_3 = vector.shape_cast %get3A_2 : vector<1x2048x128xf32> to vector<2048x128xf32>
    %swap3A = arith.constant 0 : index
    %swap3A_4 = arith.constant 0 : index
    %swap3A_5 = vector.load %arg6[%swap3A, %swap3A_4] : memref<4096x128xf32, #tpu.memory_space<vmem>>, vector<2048x128xf32>
    tpu.vector_store %arg6[%swap3A, %swap3A_4], %get3A_3 {strides = array<i32>} : memref<4096x128xf32, #tpu.memory_space<vmem>>, vector<2048x128xf32>,
    %swap3A_6 = arith.constant 2048 : index
    %swap3A_7 = arith.constant 0 : index
    %swap3A_8 = vector.load %arg6[%swap3A_6, %swap3A_7] : memref<4096x128xf32, #tpu.memory_space<vmem>>, vector<2048x128xf32>
    tpu.vector_store %arg6[%swap3A_6, %swap3A_7], %get3A_3 {strides = array<i32>} : memref<4096x128xf32, #tpu.memory_space<vmem>>, vector<2048x128xf32>,
    %get3A_9 = arith.constant 0 : index
    %get3A_10 = arith.constant 0 : index
    %get3A_11 = arith.constant 0 : index
    %get3A_12 = arith.constant 0 : index
    %get3A_13 = vector.load %arg2[%get3A_9, %get3A_10, %get3A_11, %get3A_12] : memref<1x1x2x16xf32, #tpu.memory_space<vmem>>, vector<1x1x2x16xf32>
    %reshape3A = vector.shape_cast %get3A_13 : vector<1x1x2x16xf32> to vector<2x16xf32>
    %get3A_14 = arith.constant 0 : index
    %get3A_15 = arith.constant 0 : index
    %get3A_16 = arith.constant 0 : index
    %get3A_17 = arith.constant 0 : index
    %get3A_18 = vector.load %arg3[%get3A_14, %get3A_15, %get3A_16, %get3A_17] : memref<1x1x2x16xi32, #tpu.memory_space<vmem>>, vector<1x1x2x16xi32>
    %reshape3A_19 = vector.shape_cast %get3A_18 : vector<1x1x2x16xi32> to vector<2x16xi32>
    %slice3A = vector.extract_strided_slice %reshape3A {offsets = [0, 0], sizes = [1, 1], strides = [1, 1]} : vector<2x16xf32> to vector<1x1xf32>
    %squeeze3A = vector.extract %slice3A[0, 0] : f32 from vector<1x1xf32>
    %slice3A_20 = vector.extract_strided_slice %reshape3A_19 {offsets = [0, 0], sizes = [1, 1], strides = [1, 1]} : vector<2x16xi32> to vector<1x1xi32>
    %squeeze3A_21 = vector.extract %slice3A_20[0, 0] : i32 from vector<1x1xi32>
    %sub3A = arith.constant 2048 : i32
    %sub3A_22 = arith.subi %sub3A, %squeeze3A_21 : i32
    %get3A_23 = arith.index_cast %sub3A_22 : i32 to index
    %get3A_24 = arith.constant 0 : index
    %get3A_25 = vector.load %arg6[%get3A_23, %get3A_24] : memref<4096x128xf32, #tpu.memory_space<vmem>>, vector<2048x64xf32>
    %mul3A = vector.broadcast %squeeze3A : f32 to vector<2048x64xf32>
    %mul3A_26 = arith.mulf %mul3A, %get3A_25 : vector<2048x64xf32>
    %slice3A_27 = vector.extract_strided_slice %reshape3A {offsets = [0, 1], sizes = [1, 1], strides = [1, 1]} : vector<2x16xf32> to vector<1x1xf32>
    %squeeze3A_28 = vector.extract %slice3A_27[0, 0] : f32 from vector<1x1xf32>
    %slice3A_29 = vector.extract_strided_slice %reshape3A_19 {offsets = [0, 1], sizes = [1, 1], strides = [1, 1]} : vector<2x16xi32> to vector<1x1xi32>
    %squeeze3A_30 = vector.extract %slice3A_29[0, 0] : i32 from vector<1x1xi32>
    %sub3A_31 = arith.constant 2048 : i32
    %sub3A_32 = arith.subi %sub3A_31, %squeeze3A_30 : i32
    %get3A_33 = arith.index_cast %sub3A_32 : i32 to index
    %get3A_34 = arith.constant 0 : index
    %get3A_35 = vector.load %arg6[%get3A_33, %get3A_34] : memref<4096x128xf32, #tpu.memory_space<vmem>>, vector<2048x64xf32>
    %mul3A_36 = vector.broadcast %squeeze3A_28 : f32 to vector<2048x64xf32>
    %mul3A_37 = arith.mulf %mul3A_36, %get3A_35 : vector<2048x64xf32>
    %add3A = arith.addf %mul3A_26, %mul3A_37 : vector<2048x64xf32>
    %slice3A_38 = vector.extract_strided_slice %reshape3A {offsets = [0, 2], sizes = [1, 1], strides = [1, 1]} : vector<2x16xf32> to vector<1x1xf32>
    %squeeze3A_39 = vector.extract %slice3A_38[0, 0] : f32 from vector<1x1xf32>
    %slice3A_40 = vector.extract_strided_slice %reshape3A_19 {offsets = [0, 2], sizes = [1, 1], strides = [1, 1]} : vector<2x16xi32> to vector<1x1xi32>
    %squeeze3A_41 = vector.extract %slice3A_40[0, 0] : i32 from vector<1x1xi32>
    %sub3A_42 = arith.constant 2048 : i32
    %sub3A_43 = arith.subi %sub3A_42, %squeeze3A_41 : i32
    %get3A_44 = arith.index_cast %sub3A_43 : i32 to index
    %get3A_45 = arith.constant 0 : index
    %get3A_46 = vector.load %arg6[%get3A_44, %get3A_45] : memref<4096x128xf32, #tpu.memory_space<vmem>>, vector<2048x64xf32>
    %mul3A_47 = vector.broadcast %squeeze3A_39 : f32 to vector<2048x64xf32>
    %mul3A_48 = arith.mulf %mul3A_47, %get3A_46 : vector<2048x64xf32>
    %add3A_49 = arith.addf %add3A, %mul3A_48 : vector<2048x64xf32>
    %slice3A_50 = vector.extract_strided_slice %reshape3A {offsets = [0, 3], sizes = [1, 1], strides = [1, 1]} : vector<2x16xf32> to vector<1x1xf32>
    %squeeze3A_51 = vector.extract %slice3A_50[0, 0] : f32 from vector<1x1xf32>
    %slice3A_52 = vector.extract_strided_slice %reshape3A_19 {offsets = [0, 3], sizes = [1, 1], strides = [1, 1]} : vector<2x16xi32> to vector<1x1xi32>
    %squeeze3A_53 = vector.extract %slice3A_52[0, 0] : i32 from vector<1x1xi32>
    %sub3A_54 = arith.constant 2048 : i32
    %sub3A_55 = arith.subi %sub3A_54, %squeeze3A_53 : i32
    %get3A_56 = arith.index_cast %sub3A_55 : i32 to index
    %get3A_57 = arith.constant 0 : index
    %get3A_58 = vector.load %arg6[%get3A_56, %get3A_57] : memref<4096x128xf32, #tpu.memory_space<vmem>>, vector<2048x64xf32>
    %mul3A_59 = vector.broadcast %squeeze3A_51 : f32 to vector<2048x64xf32>
    %mul3A_60 = arith.mulf %mul3A_59, %get3A_58 : vector<2048x64xf32>
    %add3A_61 = arith.addf %add3A_49, %mul3A_60 : vector<2048x64xf32>
    %slice3A_62 = vector.extract_strided_slice %reshape3A {offsets = [0, 4], sizes = [1, 1], strides = [1, 1]} : vector<2x16xf32> to vector<1x1xf32>
    %squeeze3A_63 = vector.extract %slice3A_62[0, 0] : f32 from vector<1x1xf32>
    %slice3A_64 = vector.extract_strided_slice %reshape3A_19 {offsets = [0, 4], sizes = [1, 1], strides = [1, 1]} : vector<2x16xi32> to vector<1x1xi32>
    %squeeze3A_65 = vector.extract %slice3A_64[0, 0] : i32 from vector<1x1xi32>
    %sub3A_66 = arith.constant 2048 : i32
    %sub3A_67 = arith.subi %sub3A_66, %squeeze3A_65 : i32
    %get3A_68 = arith.index_cast %sub3A_67 : i32 to index
    %get3A_69 = arith.constant 0 : index
    %get3A_70 = vector.load %arg6[%get3A_68, %get3A_69] : memref<4096x128xf32, #tpu.memory_space<vmem>>, vector<2048x64xf32>
    %mul3A_71 = vector.broadcast %squeeze3A_63 : f32 to vector<2048x64xf32>
    %mul3A_72 = arith.mulf %mul3A_71, %get3A_70 : vector<2048x64xf32>
    %add3A_73 = arith.addf %add3A_61, %mul3A_72 : vector<2048x64xf32>
    %slice3A_74 = vector.extract_strided_slice %reshape3A {offsets = [0, 5], sizes = [1, 1], strides = [1, 1]} : vector<2x16xf32> to vector<1x1xf32>
    %squeeze3A_75 = vector.extract %slice3A_74[0, 0] : f32 from vector<1x1xf32>
    %slice3A_76 = vector.extract_strided_slice %reshape3A_19 {offsets = [0, 5], sizes = [1, 1], strides = [1, 1]} : vector<2x16xi32> to vector<1x1xi32>
    %squeeze3A_77 = vector.extract %slice3A_76[0, 0] : i32 from vector<1x1xi32>
    %sub3A_78 = arith.constant 2048 : i32
    %sub3A_79 = arith.subi %sub3A_78, %squeeze3A_77 : i32
    %get3A_80 = arith.index_cast %sub3A_79 : i32 to index
    %get3A_81 = arith.constant 0 : index
    %get3A_82 = vector.load %arg6[%get3A_80, %get3A_81] : memref<4096x128xf32, #tpu.memory_space<vmem>>, vector<2048x64xf32>
    %mul3A_83 = vector.broadcast %squeeze3A_75 : f32 to vector<2048x64xf32>
    %mul3A_84 = arith.mulf %mul3A_83, %get3A_82 : vector<2048x64xf32>
    %add3A_85 = arith.addf %add3A_73, %mul3A_84 : vector<2048x64xf32>
    %slice3A_86 = vector.extract_strided_slice %reshape3A {offsets = [0, 6], sizes = [1, 1], strides = [1, 1]} : vector<2x16xf32> to vector<1x1xf32>
    %squeeze3A_87 = vector.extract %slice3A_86[0, 0] : f32 from vector<1x1xf32>
    %slice3A_88 = vector.extract_strided_slice %reshape3A_19 {offsets = [0, 6], sizes = [1, 1], strides = [1, 1]} : vector<2x16xi32> to vector<1x1xi32>
    %squeeze3A_89 = vector.extract %slice3A_88[0, 0] : i32 from vector<1x1xi32>
    %sub3A_90 = arith.constant 2048 : i32
    %sub3A_91 = arith.subi %sub3A_90, %squeeze3A_89 : i32
    %get3A_92 = arith.index_cast %sub3A_91 : i32 to index
    %get3A_93 = arith.constant 0 : index
    %get3A_94 = vector.load %arg6[%get3A_92, %get3A_93] : memref<4096x128xf32, #tpu.memory_space<vmem>>, vector<2048x64xf32>
    %mul3A_95 = vector.broadcast %squeeze3A_87 : f32 to vector<2048x64xf32>
    %mul3A_96 = arith.mulf %mul3A_95, %get3A_94 : vector<2048x64xf32>
    %add3A_97 = arith.addf %add3A_85, %mul3A_96 : vector<2048x64xf32>
    %slice3A_98 = vector.extract_strided_slice %reshape3A {offsets = [0, 7], sizes = [1, 1], strides = [1, 1]} : vector<2x16xf32> to vector<1x1xf32>
    %squeeze3A_99 = vector.extract %slice3A_98[0, 0] : f32 from vector<1x1xf32>
    %slice3A_100 = vector.extract_strided_slice %reshape3A_19 {offsets = [0, 7], sizes = [1, 1], strides = [1, 1]} : vector<2x16xi32> to vector<1x1xi32>
    %squeeze3A_101 = vector.extract %slice3A_100[0, 0] : i32 from vector<1x1xi32>
    %sub3A_102 = arith.constant 2048 : i32
    %sub3A_103 = arith.subi %sub3A_102, %squeeze3A_101 : i32
    %get3A_104 = arith.index_cast %sub3A_103 : i32 to index
    %get3A_105 = arith.constant 0 : index
    %get3A_106 = vector.load %arg6[%get3A_104, %get3A_105] : memref<4096x128xf32, #tpu.memory_space<vmem>>, vector<2048x64xf32>
    %mul3A_107 = vector.broadcast %squeeze3A_99 : f32 to vector<2048x64xf32>
    %mul3A_108 = arith.mulf %mul3A_107, %get3A_106 : vector<2048x64xf32>
    %add3A_109 = arith.addf %add3A_97, %mul3A_108 : vector<2048x64xf32>
    %swap3A_110 = arith.constant 0 : index
    %swap3A_111 = arith.constant 0 : index
    %swap3A_112 = arith.constant 0 : index
    %swap3A_113 = vector.load %arg5[%swap3A_110, %swap3A_111, %swap3A_112] : memref<1x2048x128xf32, #tpu.memory_space<vmem>>, vector<1x2048x64xf32>
    %swap3A_114 = vector.shape_cast %swap3A_113 : vector<1x2048x64xf32> to vector<2048x64xf32>
    %swap3A_115 = vector.shape_cast %add3A_109 : vector<2048x64xf32> to vector<1x2048x64xf32>
    tpu.vector_store %arg5[%swap3A_110, %swap3A_111, %swap3A_112], %swap3A_115 {strides = array<i32>} : memref<1x2048x128xf32, #tpu.memory_space<vmem>>, vector<1x2048x64xf32>,
    %slice3A_116 = vector.extract_strided_slice %reshape3A {offsets = [1, 0], sizes = [1, 1], strides = [1, 1]} : vector<2x16xf32> to vector<1x1xf32>
    %squeeze3A_117 = vector.extract %slice3A_116[0, 0] : f32 from vector<1x1xf32>
    %slice3A_118 = vector.extract_strided_slice %reshape3A_19 {offsets = [1, 0], sizes = [1, 1], strides = [1, 1]} : vector<2x16xi32> to vector<1x1xi32>
    %squeeze3A_119 = vector.extract %slice3A_118[0, 0] : i32 from vector<1x1xi32>
    %sub3A_120 = arith.constant 2048 : i32
    %sub3A_121 = arith.subi %sub3A_120, %squeeze3A_119 : i32
    %get3A_122 = arith.index_cast %sub3A_121 : i32 to index
    %get3A_123 = arith.constant 64 : index
    %get3A_124 = vector.load %arg6[%get3A_122, %get3A_123] : memref<4096x128xf32, #tpu.memory_space<vmem>>, vector<2048x64xf32>
    %mul3A_125 = vector.broadcast %squeeze3A_117 : f32 to vector<2048x64xf32>
    %mul3A_126 = arith.mulf %mul3A_125, %get3A_124 : vector<2048x64xf32>
    %slice3A_127 = vector.extract_strided_slice %reshape3A {offsets = [1, 1], sizes = [1, 1], strides = [1, 1]} : vector<2x16xf32> to vector<1x1xf32>
    %squeeze3A_128 = vector.extract %slice3A_127[0, 0] : f32 from vector<1x1xf32>
    %slice3A_129 = vector.extract_strided_slice %reshape3A_19 {offsets = [1, 1], sizes = [1, 1], strides = [1, 1]} : vector<2x16xi32> to vector<1x1xi32>
    %squeeze3A_130 = vector.extract %slice3A_129[0, 0] : i32 from vector<1x1xi32>
    %sub3A_131 = arith.constant 2048 : i32
    %sub3A_132 = arith.subi %sub3A_131, %squeeze3A_130 : i32
    %get3A_133 = arith.index_cast %sub3A_132 : i32 to index
    %get3A_134 = arith.constant 64 : index
    %get3A_135 = vector.load %arg6[%get3A_133, %get3A_134] : memref<4096x128xf32, #tpu.memory_space<vmem>>, vector<2048x64xf32>
    %mul3A_136 = vector.broadcast %squeeze3A_128 : f32 to vector<2048x64xf32>
    %mul3A_137 = arith.mulf %mul3A_136, %get3A_135 : vector<2048x64xf32>
    %add3A_138 = arith.addf %mul3A_126, %mul3A_137 : vector<2048x64xf32>
    %slice3A_139 = vector.extract_strided_slice %reshape3A {offsets = [1, 2], sizes = [1, 1], strides = [1, 1]} : vector<2x16xf32> to vector<1x1xf32>
    %squeeze3A_140 = vector.extract %slice3A_139[0, 0] : f32 from vector<1x1xf32>
    %slice3A_141 = vector.extract_strided_slice %reshape3A_19 {offsets = [1, 2], sizes = [1, 1], strides = [1, 1]} : vector<2x16xi32> to vector<1x1xi32>
    %squeeze3A_142 = vector.extract %slice3A_141[0, 0] : i32 from vector<1x1xi32>
    %sub3A_143 = arith.constant 2048 : i32
    %sub3A_144 = arith.subi %sub3A_143, %squeeze3A_142 : i32
    %get3A_145 = arith.index_cast %sub3A_144 : i32 to index
    %get3A_146 = arith.constant 64 : index
    %get3A_147 = vector.load %arg6[%get3A_145, %get3A_146] : memref<4096x128xf32, #tpu.memory_space<vmem>>, vector<2048x64xf32>
    %mul3A_148 = vector.broadcast %squeeze3A_140 : f32 to vector<2048x64xf32>
    %mul3A_149 = arith.mulf %mul3A_148, %get3A_147 : vector<2048x64xf32>
    %add3A_150 = arith.addf %add3A_138, %mul3A_149 : vector<2048x64xf32>
    %slice3A_151 = vector.extract_strided_slice %reshape3A {offsets = [1, 3], sizes = [1, 1], strides = [1, 1]} : vector<2x16xf32> to vector<1x1xf32>
    %squeeze3A_152 = vector.extract %slice3A_151[0, 0] : f32 from vector<1x1xf32>
    %slice3A_153 = vector.extract_strided_slice %reshape3A_19 {offsets = [1, 3], sizes = [1, 1], strides = [1, 1]} : vector<2x16xi32> to vector<1x1xi32>
    %squeeze3A_154 = vector.extract %slice3A_153[0, 0] : i32 from vector<1x1xi32>
    %sub3A_155 = arith.constant 2048 : i32
    %sub3A_156 = arith.subi %sub3A_155, %squeeze3A_154 : i32
    %get3A_157 = arith.index_cast %sub3A_156 : i32 to index
    %get3A_158 = arith.constant 64 : index
    %get3A_159 = vector.load %arg6[%get3A_157, %get3A_158] : memref<4096x128xf32, #tpu.memory_space<vmem>>, vector<2048x64xf32>
    %mul3A_160 = vector.broadcast %squeeze3A_152 : f32 to vector<2048x64xf32>
    %mul3A_161 = arith.mulf %mul3A_160, %get3A_159 : vector<2048x64xf32>
    %add3A_162 = arith.addf %add3A_150, %mul3A_161 : vector<2048x64xf32>
    %slice3A_163 = vector.extract_strided_slice %reshape3A {offsets = [1, 4], sizes = [1, 1], strides = [1, 1]} : vector<2x16xf32> to vector<1x1xf32>
    %squeeze3A_164 = vector.extract %slice3A_163[0, 0] : f32 from vector<1x1xf32>
    %slice3A_165 = vector.extract_strided_slice %reshape3A_19 {offsets = [1, 4], sizes = [1, 1], strides = [1, 1]} : vector<2x16xi32> to vector<1x1xi32>
    %squeeze3A_166 = vector.extract %slice3A_165[0, 0] : i32 from vector<1x1xi32>
    %sub3A_167 = arith.constant 2048 : i32
    %sub3A_168 = arith.subi %sub3A_167, %squeeze3A_166 : i32
    %get3A_169 = arith.index_cast %sub3A_168 : i32 to index
    %get3A_170 = arith.constant 64 : index
    %get3A_171 = vector.load %arg6[%get3A_169, %get3A_170] : memref<4096x128xf32, #tpu.memory_space<vmem>>, vector<2048x64xf32>
    %mul3A_172 = vector.broadcast %squeeze3A_164 : f32 to vector<2048x64xf32>
    %mul3A_173 = arith.mulf %mul3A_172, %get3A_171 : vector<2048x64xf32>
    %add3A_174 = arith.addf %add3A_162, %mul3A_173 : vector<2048x64xf32>
    %slice3A_175 = vector.extract_strided_slice %reshape3A {offsets = [1, 5], sizes = [1, 1], strides = [1, 1]} : vector<2x16xf32> to vector<1x1xf32>
    %squeeze3A_176 = vector.extract %slice3A_175[0, 0] : f32 from vector<1x1xf32>
    %slice3A_177 = vector.extract_strided_slice %reshape3A_19 {offsets = [1, 5], sizes = [1, 1], strides = [1, 1]} : vector<2x16xi32> to vector<1x1xi32>
    %squeeze3A_178 = vector.extract %slice3A_177[0, 0] : i32 from vector<1x1xi32>
    %sub3A_179 = arith.constant 2048 : i32
    %sub3A_180 = arith.subi %sub3A_179, %squeeze3A_178 : i32
    %get3A_181 = arith.index_cast %sub3A_180 : i32 to index
    %get3A_182 = arith.constant 64 : index
    %get3A_183 = vector.load %arg6[%get3A_181, %get3A_182] : memref<4096x128xf32, #tpu.memory_space<vmem>>, vector<2048x64xf32>
    %mul3A_184 = vector.broadcast %squeeze3A_176 : f32 to vector<2048x64xf32>
    %mul3A_185 = arith.mulf %mul3A_184, %get3A_183 : vector<2048x64xf32>
    %add3A_186 = arith.addf %add3A_174, %mul3A_185 : vector<2048x64xf32>
    %slice3A_187 = vector.extract_strided_slice %reshape3A {offsets = [1, 6], sizes = [1, 1], strides = [1, 1]} : vector<2x16xf32> to vector<1x1xf32>
    %squeeze3A_188 = vector.extract %slice3A_187[0, 0] : f32 from vector<1x1xf32>
    %slice3A_189 = vector.extract_strided_slice %reshape3A_19 {offsets = [1, 6], sizes = [1, 1], strides = [1, 1]} : vector<2x16xi32> to vector<1x1xi32>
    %squeeze3A_190 = vector.extract %slice3A_189[0, 0] : i32 from vector<1x1xi32>
    %sub3A_191 = arith.constant 2048 : i32
    %sub3A_192 = arith.subi %sub3A_191, %squeeze3A_190 : i32
    %get3A_193 = arith.index_cast %sub3A_192 : i32 to index
    %get3A_194 = arith.constant 64 : index
    %get3A_195 = vector.load %arg6[%get3A_193, %get3A_194] : memref<4096x128xf32, #tpu.memory_space<vmem>>, vector<2048x64xf32>
    %mul3A_196 = vector.broadcast %squeeze3A_188 : f32 to vector<2048x64xf32>
    %mul3A_197 = arith.mulf %mul3A_196, %get3A_195 : vector<2048x64xf32>
    %add3A_198 = arith.addf %add3A_186, %mul3A_197 : vector<2048x64xf32>
    %slice3A_199 = vector.extract_strided_slice %reshape3A {offsets = [1, 7], sizes = [1, 1], strides = [1, 1]} : vector<2x16xf32> to vector<1x1xf32>
    %squeeze3A_200 = vector.extract %slice3A_199[0, 0] : f32 from vector<1x1xf32>
    %slice3A_201 = vector.extract_strided_slice %reshape3A_19 {offsets = [1, 7], sizes = [1, 1], strides = [1, 1]} : vector<2x16xi32> to vector<1x1xi32>
    %squeeze3A_202 = vector.extract %slice3A_201[0, 0] : i32 from vector<1x1xi32>
    %sub3A_203 = arith.constant 2048 : i32
    %sub3A_204 = arith.subi %sub3A_203, %squeeze3A_202 : i32
    %get3A_205 = arith.index_cast %sub3A_204 : i32 to index
    %get3A_206 = arith.constant 64 : index
    %get3A_207 = vector.load %arg6[%get3A_205, %get3A_206] : memref<4096x128xf32, #tpu.memory_space<vmem>>, vector<2048x64xf32>
    %mul3A_208 = vector.broadcast %squeeze3A_200 : f32 to vector<2048x64xf32>
    %mul3A_209 = arith.mulf %mul3A_208, %get3A_207 : vector<2048x64xf32>
    %add3A_210 = arith.addf %add3A_198, %mul3A_209 : vector<2048x64xf32>
    %swap3A_211 = arith.constant 0 : index
    %swap3A_212 = arith.constant 0 : index
    %swap3A_213 = arith.constant 64 : index
    %swap3A_214 = vector.load %arg5[%swap3A_211, %swap3A_212, %swap3A_213] : memref<1x2048x128xf32, #tpu.memory_space<vmem>>, vector<1x2048x64xf32>
    %swap3A_215 = vector.shape_cast %swap3A_214 : vector<1x2048x64xf32> to vector<2048x64xf32>
    %swap3A_216 = vector.shape_cast %add3A_210 : vector<2048x64xf32> to vector<1x2048x64xf32>
    tpu.vector_store %arg5[%swap3A_211, %swap3A_212, %swap3A_213], %swap3A_216 {strides = array<i32>} : memref<1x2048x128xf32, #tpu.memory_space<vmem>>, vector<1x2048x64xf32>,
    return
  }
  func.func @transform_0(%arg0: i32, %arg1: i32) -> (i32, i32, i32, i32) {
    %c0_i32 = arith.constant 0 : i32
    %c0_i32_0 = arith.constant 0 : i32
    %c0_i32_1 = arith.constant 0 : i32
    return %arg0, %arg1, %c0_i32, %c0_i32_0 : i32, i32, i32, i32
  }
  func.func @transform_1(%arg0: i32, %arg1: i32) -> (i32, i32, i32, i32) {
    %c0_i32 = arith.constant 0 : i32
    %c0_i32_0 = arith.constant 0 : i32
    %c0_i32_1 = arith.constant 0 : i32
    return %arg0, %arg1, %c0_i32, %c0_i32_0 : i32, i32, i32, i32
  }
  func.func @transform_2(%arg0: i32, %arg1: i32) -> (i32, i32, i32) {
    %c0_i32 = arith.constant 0 : i32
    %c0_i32_0 = arith.constant 0 : i32
    return %arg0, %c0_i32, %arg1 : i32, i32, i32
  }
  func.func @transform_3(%arg0: i32, %arg1: i32) -> (i32, i32, i32) {
    %c0_i32 = arith.constant 0 : i32
    %c0_i32_0 = arith.constant 0 : i32
    return %arg0, %c0_i32, %arg1 : i32, i32, i32
  }
}

module attributes {stable_mosaic.version = 14 : i64} {
  func.func @_mm_bias_kernel(%arg0: i32, %arg1: i32, %arg2: i32, %arg3: memref<512x1024xf32, #tpu.memory_space<vmem>>, %arg4: memref<1024x1024xf32, #tpu.memory_space<vmem>>, %arg5: memref<1x1024xf32, #tpu.memory_space<vmem>>, %arg6: memref<512x1024xf32, #tpu.memory_space<vmem>>) attributes {dimension_semantics = [#tpu.dimension_semantics<parallel>, #tpu.dimension_semantics<parallel>, #tpu.dimension_semantics<arbitrary>], iteration_bounds = array<i64: 8, 1, 1>, scalar_prefetch = 0 : i64, scratch_operands = 0 : i64, tpu.core_type = #tpu.core_type<tc>, window_params = [{transform_indices = @transform_0, window_bounds = array<i64: 512, 1024>}, {transform_indices = @transform_1, window_bounds = array<i64: 1024, 1024>}, {transform_indices = @transform_2, window_bounds = array<i64: 1, 1024>}, {transform_indices = @transform_3, window_bounds = array<i64: 512, 1024>}]} {
    %eq3A = arith.constant 0 : i32
    %eq3A_0 = arith.cmpi eq, %arg2, %eq3A : i32
    %convert_element_type3A = arith.extui %eq3A_0 : i1 to i32
    %cond3A = arith.constant 0 : i32
    %cond3A_1 = arith.cmpi ne, %convert_element_type3A, %cond3A : i32
    scf.if %cond3A_1 {
      %get3A_13 = arith.constant 0 : index
      %get3A_14 = arith.constant 0 : index
      %get3A_15 = vector.load %arg5[%get3A_13, %get3A_14] : memref<1x1024xf32, #tpu.memory_space<vmem>>, vector<1x1024xf32>
      %broadcast_in_dim3A = vector.shape_cast %get3A_15 : vector<1x1024xf32> to vector<1x1024xf32>
      %broadcast_in_dim3A_16 = vector.broadcast %broadcast_in_dim3A : vector<1x1024xf32> to vector<512x1024xf32>
      %swap3A_17 = arith.constant 0 : index
      %swap3A_18 = arith.constant 0 : index
      %swap3A_19 = vector.load %arg6[%swap3A_17, %swap3A_18] : memref<512x1024xf32, #tpu.memory_space<vmem>>, vector<512x1024xf32>
      tpu.vector_store %arg6[%swap3A_17, %swap3A_18], %broadcast_in_dim3A_16 {strides = array<i32>} : memref<512x1024xf32, #tpu.memory_space<vmem>>, vector<512x1024xf32>,
    } else {
    }
    %get3A = arith.constant 0 : index
    %get3A_2 = arith.constant 0 : index
    %get3A_3 = vector.load %arg6[%get3A, %get3A_2] : memref<512x1024xf32, #tpu.memory_space<vmem>>, vector<512x1024xf32>
    %get3A_4 = arith.constant 0 : index
    %get3A_5 = arith.constant 0 : index
    %get3A_6 = vector.load %arg3[%get3A_4, %get3A_5] : memref<512x1024xf32, #tpu.memory_space<vmem>>, vector<512x1024xf32>
    %get3A_7 = arith.constant 0 : index
    %get3A_8 = arith.constant 0 : index
    %get3A_9 = vector.load %arg4[%get3A_7, %get3A_8] : memref<1024x1024xf32, #tpu.memory_space<vmem>>, vector<1024x1024xf32>
    %dot_general3A = arith.constant dense<0.000000e+00> : vector<512x1024xf32>
    %dot_general3A_10 = tpu.matmul %get3A_6, %get3A_9, %dot_general3A {dimension_numbers = #tpu.dot_dimension_numbers<[1], [0], [0], [1], [0, 0, 1, 1], [], []>, transpose_lhs_hint = false} : vector<512x1024xf32>, vector<1024x1024xf32>, vector<512x1024xf32> -> vector<512x1024xf32>
    %add3A = arith.addf %get3A_3, %dot_general3A_10 : vector<512x1024xf32>
    %swap3A = arith.constant 0 : index
    %swap3A_11 = arith.constant 0 : index
    %swap3A_12 = vector.load %arg6[%swap3A, %swap3A_11] : memref<512x1024xf32, #tpu.memory_space<vmem>>, vector<512x1024xf32>
    tpu.vector_store %arg6[%swap3A, %swap3A_11], %add3A {strides = array<i32>} : memref<512x1024xf32, #tpu.memory_space<vmem>>, vector<512x1024xf32>,
    return
  }
  func.func @transform_0(%arg0: i32, %arg1: i32, %arg2: i32) -> (i32, i32) {
    %c0_i32 = arith.constant 0 : i32
    return %arg0, %arg2 : i32, i32
  }
  func.func @transform_1(%arg0: i32, %arg1: i32, %arg2: i32) -> (i32, i32) {
    %c0_i32 = arith.constant 0 : i32
    return %arg2, %arg1 : i32, i32
  }
  func.func @transform_2(%arg0: i32, %arg1: i32, %arg2: i32) -> (i32, i32) {
    %c0_i32 = arith.constant 0 : i32
    %c0_i32_0 = arith.constant 0 : i32
    return %c0_i32, %arg1 : i32, i32
  }
  func.func @transform_3(%arg0: i32, %arg1: i32, %arg2: i32) -> (i32, i32) {
    %c0_i32 = arith.constant 0 : i32
    return %arg0, %arg1 : i32, i32
  }
}

</mosaic_0001>

<sc_bundles>
// kernel: kernel.10.cloned.1.call-start
scs
__scs_entry_jumppad:
0x0: {  	(pc) =	sbr.rel $0x88, $3  }
0x1: {  	(tag) =	ssettag $0x0;
	lr =	simm.s32 $0x1  }
0x2: {  	[smem:$0x3F96] =	sst lr;
	_ =	strace $0xD0000000  }
0x3: {  	_ = 	snop  }
0x4: {  	_ = 	snop  }
0x5: {  	_ = 	snop  }
0x6: {  	_ = 	snop  }
0x7: {  	_ = 	snop  }
__scs_overlays_trampoline_lowered:
0x8: {  	[smem:$0x3FA5] =	sst s0  }
0x9: {  	[smem:$0x3FA6] =	sst s1  }
0xa: {  	[smem:$0x3FA7] =	sst s2  }
0xb: {  	[smem:$0x3FA8] =	sst s3  }
0xc: {  	[smem:$0x3FA9] =	sst s4  }
0xd: {  	[smem:$0x3FAA] =	sst s5  }
0xe: {  	[smem:$0x3FAB] =	sst s6  }
0xf: {  	[smem:$0x3FAC] =	sst s7  }
0x10: {  	[smem:$0x3FAD] =	sst s8  }
0x11: {  	[smem:$0x3FAE] =	sst s9;
	s0 =	simm.s32 @!p0 $0x0  }
0x12: {  	s1 =	sld [smem:$0x3F94];
	s0 =	simm.s32 @p0 $0x1  }
0x13: {  	[smem:$0x3FAF] =	sst s0;
	s0 =	simm.s32 @!p1 $0x0  }
0x14: {  	s2 =	sld [smem:$0x3F93];
	s0 =	simm.s32 @p1 $0x1  }
0x15: {  	[smem:$0x3FB0] =	sst s0;
	s0 =	simm.s32 @!p2 $0x0  }
0x16: {  	s3 =	sld [smem:$0x3FDB];
	s0 =	simm.s32 @p2 $0x1  }
0x17: {  	s4 =	simm.s32 $0x1BF5;
	[smem:$0x3FB2] =	sst s0  }
0x18: {  	s0 =	sld [smem:$0x3F95];
	_ =	swait.ge [sflag:s4], $0x0  }
0x19: {  	s7 =	sld [smem:$0x3F96]  }
0x1a: {  	s8 =	sadd.s32 $0xFFFFE003, lr  }
0x1b: {  	s9 =	sadd.s32 $0xFFFFFEF7, lr;
	s5 =	simm.s32 $0xFFFFFFFF;
	p2 =	slt.u32 s8, $0xFFFFF086  }
0x1c: {  	p1 =	slt.u32 s9, $0xF7A;
	s5 =	simm.s32 @!p2 $0x0  }
0x1d: {  	s5 =	simm.s32 @p1 $0x1;
	p0 =	seq.s32 s7, s2  }
0x1e: {  	s7 =	smul.u32 @!p0 $0xF7A, s2;
	p2 =	seq.s32 @!p0 s5, $0x0  }
0x1f: {  	s9 =	smul.u32 $0xF7A, s1;
	s8 =	simm.s32 @!p0 $0x1BF5;
	p2 =	por !p2, p0  }
0x20: {  	[sflag:s8] =	ssyncset.s32 @!p0 $0xFFFFF086;
	s6 =	sadd.s32 @!p0 s3, s7;
	s7 =	simm.s32 @!p0 $0x108  }
0x21: {  	s3 =	sadd.s32 s3, s9;
	s6 =	sadd.s32 @!p0 $0x88, s6;
	s7 =	simm.s32 @p2 $0x1082  }
0x22: {  	[simem:s7], [sflag:s8] =	dma.local @!p0 [hbm:s6], $0xF7A  }
0x23: {  	s9 =	sor.u32 $0xD0000000, s2;
	s6 =	simm.s32 $0x108;
	_ =	swait.ge @!p0 [sflag:s8], $0x0  }
0x24: {  	s3 =	sadd.s32 $0x88, s3;
	s6 =	simm.s32 @!p1 $0x1082;
	[sflag:s4] =	ssyncset.s32 $0xFFFFF086  }
0x25: {  	[simem:s6], [sflag:s4] =	dma.local [hbm:s3], $0xF7A  }
0x26: {  	[smem:$0x3F96] =	sst s1;
	(tag) =	ssettag s2;
	_ =	strace s9  }
0x27: {  	s1 =	sld [smem:$0x3FA6]  }
0x28: {  	s2 =	sld [smem:$0x3FA7]  }
0x29: {  	s4 =	sld [smem:$0x3FA9]  }
0x2a: {  	p0 =	seq.s32 s5, $0x0;
	s5 =	sld [smem:$0x3FAA]  }
0x2b: {  	s6 =	sld [smem:$0x3FAB]  }
0x2c: {  	s7 =	sld [smem:$0x3FAC]  }
0x2d: {  	s3 =	simm.s32 $0x108;
	s8 =	sld [smem:$0x3FAD]  }
0x2e: {  	s3 =	simm.s32 @!p0 $0x1082;
	s9 =	sld [smem:$0x3FAE]  }
0x2f: {  	lr =	sadd.s32 s0, s3;
	s0 =	sld [smem:$0x3FA5]  }
0x30: {  	s3 =	sld [smem:$0x3FA8]  }
0x31: {  	[smem:$0x3FB1] =	sst s10  }
0x32: {  	s10 =	sld [smem:$0x3FAF];
	_ =	sdelay $0x3  }
0x33: {  	p0 =	seq.s32 s10, $0x1;
	s10 =	sld [smem:$0x3FB1];
	_ =	sdelay $0x3  }
0x34: {  	[smem:$0x3FB1] =	sst s10  }
0x35: {  	s10 =	sld [smem:$0x3FB0];
	_ =	sdelay $0x3  }
0x36: {  	p1 =	seq.s32 s10, $0x1;
	s10 =	sld [smem:$0x3FB1];
	_ =	sdelay $0x3  }
0x37: {  	[smem:$0x3FB1] =	sst s10  }
0x38: {  	s10 =	sld [smem:$0x3FB2]  }
0x39: {  	_ = 	snop;
	(pc) =	sbr.ind lr, $3  }
0x3a: {  	_ = 	snop  }
0x3b: {  	_ = 	snop  }
0x3c: {  	p2 =	seq.s32 s10, $0x1;
	s10 =	sld [smem:$0x3FB1]  }
0x3d: {  	_ =	shalt  }
0x3e: {  	_ =	shalt  }
0x3f: {  	_ =	shalt  }
0x40: {  	_ =	shalt  }
0x41: {  	_ =	shalt  }
0x42: {  	_ =	shalt  }
0x43: {  	_ =	shalt  }
0x44: {  	_ =	shalt  }
0x45: {  	_ =	shalt  }
0x46: {  	_ =	shalt  }
0x47: {  	_ =	shalt  }
0x48: {  	_ =	shalt  }
0x49: {  	_ =	shalt  }
0x4a: {  	_ =	shalt  }
0x4b: {  	_ =	shalt  }
0x4c: {  	_ =	shalt  }
0x4d: {  	_ =	shalt  }
0x4e: {  	_ =	shalt  }
0x4f: {  	_ =	shalt  }
0x50: {  	_ =	shalt  }
0x51: {  	_ =	shalt  }
0x52: {  	_ =	shalt  }
0x53: {  	_ =	shalt  }
0x54: {  	_ =	shalt  }
0x55: {  	_ =	shalt  }
0x56: {  	_ =	shalt  }
0x57: {  	_ =	shalt  }
0x58: {  	_ =	shalt  }
0x59: {  	_ =	shalt  }
0x5a: {  	_ =	shalt  }
0x5b: {  	_ =	shalt  }
0x5c: {  	_ =	shalt  }
0x5d: {  	_ =	shalt  }
0x5e: {  	_ =	shalt  }
0x5f: {  	_ =	shalt  }
0x60: {  	_ =	shalt  }
0x61: {  	_ =	shalt  }
0x62: {  	_ =	shalt  }
0x63: {  	_ =	shalt  }
0x64: {  	_ =	shalt  }
0x65: {  	_ =	shalt  }
0x66: {  	_ =	shalt  }
0x67: {  	_ =	shalt  }
0x68: {  	_ =	shalt  }
0x69: {  	_ =	shalt  }
0x6a: {  	_ =	shalt  }
0x6b: {  	_ =	shalt  }
0x6c: {  	_ =	shalt  }
0x6d: {  	_ =	shalt  }
0x6e: {  	_ =	shalt  }
0x6f: {  	_ =	shalt  }
0x70: {  	_ =	shalt  }
0x71: {  	_ =	shalt  }
0x72: {  	_ =	shalt  }
0x73: {  	_ =	shalt  }
0x74: {  	_ =	shalt  }
0x75: {  	_ =	shalt  }
0x76: {  	_ =	shalt  }
0x77: {  	_ =	shalt  }
0x78: {  	_ =	shalt  }
0x79: {  	_ =	shalt  }
0x7a: {  	_ =	shalt  }
0x7b: {  	_ =	shalt  }
0x7c: {  	_ =	shalt  }
0x7d: {  	_ =	shalt  }
0x7e: {  	_ =	shalt  }
0x7f: {  	_ =	shalt  }
0x80: {  	_ =	shalt  }
0x81: {  	_ =	shalt  }
0x82: {  	_ =	shalt  }
0x83: {  	_ =	shalt  }
0x84: {  	_ =	shalt  }
0x85: {  	_ =	shalt  }
0x86: {  	_ =	shalt  }
0x87: {  	_ =	shalt  }
.Lfunc_end0:
.L_simem_size_0:
called_computation_lowered:
.L_overlay_start_0:
0x88: {  	s2 =	sld [smem:$0x3FD9]  }
0x89: {  	s3 =	sld [smem:$0x3FFE];
	_ =	sdelay $0x1  }
0x8a: {  	s1 =	srdreg.scid  }
0x8b: {  	s0 =	sand.u32 $0x1, s1  }
0x8c: {  	s16 =	sshll.u32 s0, $0xA;
	s2 =	sadd.s32 s3, s2  }
0x8d: {  	s2 =	sadd.s32 s2, s16  }
0x8e: {  	[smem:$0x3FBD] =	sst s2  }
0x8f: {  	_ = 	snop  }
0x90: {  	(tm) =	ssettm $0x1  }
0x91: {  	s17 =	sld [smem:$0x3FFB];
	_ =	sdelay $0x3  }
0x92: {  	_ =	strace s17  }
0x93: {  	s2 =	sld [smem:$0x3FFC];
	_ =	sdelay $0x3  }
0x94: {  	_ =	strace s2  }
0x95: {  	s2 =	sld [smem:$0x3FFD];
	_ =	sdelay $0x3  }
0x96: {  	_ =	strace s2  }
0x97: {  	_ =	strace $0x8FFFFFFF  }
0x98: {  	s18 =	sld [smem:$0x3FDB];
	_ =	sdelay $0x1  }
0x99: {  	s19 =	simm.s32 $_scs_section_size  }
0x9a: {  	s4 =	simm.s32 $_size__tile_overlayer_lowered;
	s5 =	simm.s32 $_tile_overlayer_lowered  }
0x9b: {  	s22 =	simm.s32 $0x1BFF;
	s21 =	sshll.u32 s5, $0x1;
	s2 =	sadd.s32 s19, s18  }
0x9c: {  	s6 =	simm.s32 $0x0;
	s20 =	sshll.u32 s4, $0x1;
	s4 =	sadd.s32 s21, s2  }
0x9d: {  	[timem:s6], [sflag:s22] =	dma.local [hbm:s4], s20  }
0x9e: {  	_ =	swait.ge [sflag:s22], s20  }
0x9f: {  	s3 =	ssub.s32 $0x0, s20;
	[sflag:s22] =	ssyncset.done $0x0  }
0xa0: {  	[sflag:s22] =	ssyncadd.s32 s3;
	_ =	sdelay $0x1  }
0xa1: {  	s23 =	simm.s32 $0x1B8B  }
0xa2: {  	_ =	swait.ge [sflag:s23], $0x1  }
0xa3: {  	[sflag:s23] =	ssyncset.done $0x0  }
0xa4: {  	s25 =	simm.s32 $0x1B8E;
	s24 =	sld [smem:$0x3FFE];
	[sflag:s23] =	ssyncadd.s32 $0xFFFFFFFF  }
0xa5: {  	s26 =	simm.s32 $execute0_lowered;
	[smem:$0x3FD2] =	sst s25  }
0xa6: {  	s4 =	sshll.u32 s26, $0x1;
	_ =	strace $0x80000046;
	[dreg:$0x1] =	wrdreg $0xFFFFFFFF  }
0xa7: {  	s28 =	simm.s32 $_size_execute0_lowered;
	s2 =	sadd.s32 s2, s4;
	[dreg:$0x0] =	wrdreg $0x0  }
0xa8: {  	s4 =	sshll.u32 s28, $0x1;
	[dreg:$0x2] =	wrdreg s2  }
0xa9: {  	[dreg:$0x3] =	wrdreg s4  }
0xaa: {  	[dreg:$0x4] =	wrdreg $0xC0  }
0xab: {  	_ =	task [dreg:s6], $0x5FFFF  }
0xac: {  	[dreg:$0x1] =	wrdreg $0xFFFFFFFF  }
0xad: {  	[dreg:$0x0] =	wrdreg $0x60  }
0xae: {  	[dreg:$0x2] =	wrdreg s24  }
0xaf: {  	[dreg:$0x3] =	wrdreg $0x9  }
0xb0: {  	_ =	task.clear_ibuf [dreg:s6], $0x4FFFF;
	_ =	strace $0x90000046  }
0xb1: {  	s29 =	simm.s32 $0x9;
	_ =	strace $0x80000048  }
0xb2: {  	_ =	swait.ge [sflag:s29], $0x1  }
0xb3: {  	[sflag:s29] =	ssyncadd.s32 $0xFFFFFFFF  }
0xb4: {  	_ =	strace $0x90000048  }
0xb5: {  	_ =	sfence  }
0xb6: {  	s30 =	sld [smem:$0x0];
	_ =	sdelay $0x2  }
0xb7: {  	s31 =	sshll.u32 s1, $0xD;
	s1 =	sshrl.u32 s1, $0x2  }
0xb8: {  	s3 =	sand.u32 $0x4000, s31;
	s1 =	sadd.s32 s1, s30  }
0xb9: {  	s0 =	sor.u32 s3, s0;
	s1 =	sshll.u32 s1, $0x11  }
0xba: {  	s0 =	sor.u32 s1, s0  }
0xbb: {  	s0 =	sadd.s32 $0x8F2B, s0  }
0xbc: {  	[sflag:s0] =	ssyncadd.remote.s32 $0x1  }
0xbd: {  	_ =	sfence.sel $0xFFFF  }
0xbe: {  	[dreg:$0x0] =	wrdreg $0xFFFFFFFF;
	(pc) =	sbr.abs _section_cstart, $3  }
0xbf: {  	[dreg:$0x1] =	wrdreg $0xFFFFFFFF  }
0xc0: {  	_ =	task.clear_ibuf [dreg:s6], $0x2FFFF;
	_ =	strace $0x9FFFFFFF  }
0xc1: {  	(tm) =	ssettm $0x7FFFFFFF  }
tec
execute0_lowered:
.L_overlay_start_1:
0x0: {  	(tag) =	ssettag $0x1  }
0x1: {  	s3 =	rddreg [dreg:$0x0]  }
0x2: {  	s0 =	rddreg [dreg:$0x1];
	s2 =	simm.s32 $0x0;
	s4 =	srdreg.scid  }
0x3: {  	s1 =	stileid.u32;
	s8 =	simm.s32 $0x800;
	s9 =	simm.s32 $0x810  }
0x4: {  	[smem:$0x7FF] =	sst s2;
	s4 =	sand.u32 $0x1, s4;
	s5 =	sshll.u32 s1, $0x1  }
0x5: {  	s10 =	simm.s32 $0x0;
	_ =	strace $0x80000047;
	s5 =	sor.u32 s4, s5  }
0x6: {  	v0 =	vlaneseq.u32;
	s4 =	ssub.s32 $0x2, s4;
	s6 =	sshll.u32 s5, $0x8;
	s5 =	sshll.u32 s5, $0x1  }
0x7: {  	v1 =	vmul.u32 $0xFFFFFFFF, v0;
	s31 =	sshrl.u32 s4, $0x1;
	s6 =	sadd.s32 s6, s3;
	s5 =	sadd.s32 s5, s3  }
0x8: {  	s7 =	ssub.s32 s4, s31;
	s3 =	sadd.s32 $0x3600, s6;
	s4 =	sadd.s32 $0x5600, s5  }
0x9: {  	vm0 =	vmmov $0xff;
	v1 =	vadd.s32 $0xF, v1;
	s5 =	sadd.s32 $0x5800, s5;
	s6 =	smax.u32 s7, $0x1;
	s7 =	simm.s32 $0x1  }
.LBB2_1:
0xa: {  	[tilespmem:s2], [sflag:$0x1] =	stream.linear.gather [hbm4b:s3+s2], $0x800, $0x38;
	[tilespmem:$0x820] =	vst v63  }
0xb: {  	_ =	swait.ge [sflag:s7], $0x800  }
0xc: {  	[sflag:s7] =	ssyncset.done $0x0  }
0xd: {  	[sflag:s7] =	ssyncadd.s32 $0xFFFFF800  }
0xe: {  	v2 =	vld [tilespmem:s2+$0x0];
	_ =	sdelay $0x3  }
0xf: {  	v3 =	vor.u32 s2, v0  }
0x10: {  	(xrf1) =	vsort.dscd.msk.f32 $0xffff, v2, v3;
	_ =	sdelay $0xa  }
0x11: {  	s11 =	simm.s32 $0x10  }
0x12: {  	v2 =	vld [tilespmem:s11+$0x0];
	_ =	sdelay $0x1  }
0x13: {  	v3, v4, _ =	vpop (xrf1)  }
0x14: {  	v3 =	vperm.xlane v3, v1  }
0x15: {  	v5 =	vimm.f32 $-Inf;
	v7 =	vor.u32 s11, v0;
	v4 =	vperm.xlane v4, v1  }
0x16: {  	v6 =	vimm.s32 $0x0;
	(xrf1) =	vsort.dscd.msk.f32 $0xffff, v2, v7;
	vm1 =	vge.f32 v5, v3  }
0x17: {  	v2 =	vmax.f32 v5, v3;
	v3 =	vsel vm1, v6, v4  }
0x18: {  	(xrf1) =	vsort.dscd.msk.f32 $0xffff, v2, v3;
	_ =	sdelay $0x8  }
0x19: {  	s11 =	simm.s32 $0x20  }
0x1a: {  	s12 =	simm.s32 $0x30;
	s13 =	simm.s32 $0x20;
	v2 =	vld [tilespmem:s11+$0x0]  }
.LBB2_2:
0x1b: {  	p0 =	sne.s32 s12, $0x7F0  }
0x1c: {  	v3, v4, _ =	vpop (xrf1)  }
0x1d: {  	v3 =	vperm.xlane v3, v1  }
0x1e: {  	v5 =	vor.u32 s11, v0;
	s11 =	smov.u32 s12;
	v4 =	vperm.xlane v4, v1;
	v6, v7, _ =	vpop (xrf1)  }
0x1f: {  	(xrf1) =	vsort.dscd.msk.f32 $0xffff, v2, v5;
	vm1 =	vge.f32 v6, v3  }
0x20: {  	v2 =	vmax.f32 v6, v3;
	v3 =	vsel vm1, v7, v4  }
0x21: {  	(xrf1) =	vsort.dscd.msk.f32 $0xffff, v2, v3;
	_ =	sdelay $0x5  }
.Ltmp0:
0x22: {  	(pc) =	sbr.rel @p0 .LBB2_2-.Ltmp0, $3  }
0x23: {  	_ =	sdelay $0x1  }
0x24: {  	s13 =	sadd.s32 $0x10, s13  }
0x25: {  	s12 =	sadd.s32 $0x10, s12;
	v2 =	vld [tilespmem:s13+$0x0]  }
0x26: {  	_ = 	snop  }
0x27: {  	v3, v4, _ =	vpop (xrf1)  }
0x28: {  	v3 =	vperm.xlane v3, v1  }
0x29: {  	v5 =	vor.u32 s11, v0;
	v4 =	vperm.xlane v4, v1;
	v6, v7, _ =	vpop (xrf1)  }
0x2a: {  	(xrf1) =	vsort.dscd.msk.f32 $0xffff, v2, v5;
	vm1 =	vge.f32 v6, v3  }
0x2b: {  	v2 =	vmax.f32 v6, v3;
	v3 =	vsel vm1, v7, v4  }
0x2c: {  	(xrf1) =	vsort.dscd.msk.f32 $0xffff, v2, v3;
	_ =	sdelay $0xb  }
0x2d: {  	v2, v3, _ =	vpop (xrf1)  }
0x2e: {  	v2 =	vperm.xlane v2, v1  }
0x2f: {  	v3 =	vperm.xlane v3, v1;
	v61, v60, _ =	vpop (xrf1)  }
0x30: {  	vm1 =	vge.f32 v61, v2  }
0x31: {  	v2 =	vmax.f32 v61, v2;
	v3 =	vsel vm1, v60, v3  }
0x32: {  	(xrf1) =	vsort.dscd.msk.f32 $0xffff, v2, v3;
	_ =	sdelay $0xd  }
0x33: {  	v2, v3, _ =	vpop (xrf1)  }
0x34: {  	(xrf0) =	vmax.scan.msk.f32 $0xffff, v2;
	_ =	sdelay $0x5  }
0x35: {  	v62, _, _ =	vpop (xrf0)  }
0x36: {  	v4 =	vbroadcast v62, $0xF;
	_ =	sdelay $0x1  }
0x37: {  	v2 =	vsub.f32 v2, v4;
	_ =	sdelay $0x1  }
0x38: {  	v2 =	vmul.f32 $1.442695020e+00, v2;
	_ =	sdelay $0x1  }
0x39: {  	(erf) = vpow2.f32 v2;
	_ =	sdelay $0x8  }
0x3a: {  	v2 =	vpop (erf)  }
0x3b: {  	v2 =	vnsel vm0, $0x0, v2  }
0x3c: {  	(xrf2) =	vadd.scan.msk.f32 $0xffff, v2;
	_ =	sdelay $0x9  }
0x3d: {  	v63, _, _ =	vpop (xrf2)  }
0x3e: {  	v4 =	vbroadcast v63, $0xF;
	_ =	sdelay $0x1  }
0x3f: {  	(erf) = vrcp.f32 v4;
	_ =	sdelay $0x8  }
0x40: {  	v4 =	vpop (erf)  }
0x41: {  	v2 =	vmul.f32 v4, v2  }
0x42: {  	[tilespmem:$0x810] =	vst v3  }
0x43: {  	[tilespmem:$0x800] =	vst v2  }
0x44: {  	[hbm4b:s4+s2] =	stream.linear.scatter [tilespmem:s8], [sflag:$0x1], $0x10, $0x38;
	[tilespmem:$0x820] =	vst v63  }
0x45: {  	s10 =	sadd.s32 $0x1, s10;
	_ =	swait.ge [sflag:s7], $0x10  }
0x46: {  	p0 =	sne.s32 s10, s6;
	[sflag:s7] =	ssyncset.done $0x0  }
.Ltmp1:
0x47: {  	[sflag:s7] =	ssyncadd.s32 $0xFFFFFFF0;
	(pc) =	sbr.rel @p0 .LBB2_1-.Ltmp1, $4  }
0x48: {  	[hbm4b:s5+s2] =	stream.linear.scatter [tilespmem:s9], [sflag:$0x1], $0x10, $0x38;
	[tilespmem:$0x820] =	vst v63  }
0x49: {  	_ =	swait.ge [sflag:s7], $0x10  }
0x4a: {  	[sflag:s7] =	ssyncset.done $0x0  }
0x4b: {  	[sflag:s7] =	ssyncadd.s32 $0xFFFFFFF0  }
0x4c: {  	_ =	sfence.sel $0x180000  }
0x4d: {  	[bflag:$0x0] =	sbarrier.arrive $0xFFFF  }
0x4e: {  	p0 =	sne.s32 s1, $0x0;
	_ =	strace $0x90000047  }
0x4f: {  	s0 =	sadd.s32 @!p0 $0x100000, s0;
	[bflag:$0x2] =	sbarrier.arrive $0xFFFF  }
0x50: {  	[sflag:s0] =	ssyncadd.tile.s32 @!p0 $0x1;
	_ =	shalt  }
.Lfunc_end2:
_tile_overlayer_lowered:
.L_overlay_start_2:
0x51: {  	(tag) =	ssettag $0x2  }
0x52: {  	s0 =	rddreg [dreg:$0x0];
	s2 =	stileid.u32  }
0x53: {  	s1 =	rddreg [dreg:$0x1];
	p0 =	sne.s32 s2, $0x0  }
0x54: {  	s3 =	rddreg [dreg:$0x2];
	[bflag:$0x3] =	sbarrier.arrive $0xFFFF;
	s2 =	simm.s32 @!p0 $0x1C01  }
0x55: {  	[timem:s3], [sflag:s2] =	dma.local @!p0 [hbm:s0], s1  }
0x56: {  	s0 =	simm.s32 @!p0 $0x1  }
0x57: {  	_ =	swait.ge @!p0 [sflag:s0], s1  }
0x58: {  	s1 =	ssub.s32 @!p0 $0x0, s1;
	[sflag:s0] =	ssyncset.done @!p0 $0x0  }
0x59: {  	[sflag:s0] =	ssyncadd.s32 @!p0 s1  }
0x5a: {  	[bflag:$0x3] =	sbarrier.arrive $0xFFFF  }
0x5b: {  	_ =	shalt  }

</sc_bundles>
